<compile_context>
chip_gen: v7x
topology: tpu7x:2x2x1
jax: 0.10.2.dev20260603
libtpu: 0.0.44.dev20260713+nightly
codegen_flags: <defaults>
</compile_context>

<pallas_src>
import functools

import jax
import jax.numpy as jnp
from jax import lax
from jax.experimental import pallas as pl
from jax.experimental.pallas import tpu as pltpu
from jax.experimental.pallas import tpu_sc as plsc

N = 10000
E = 320000
D_IN = 128
HID = 128
N_CLS = 16

NPAD = 10240
NC = 2
NS = 16
NW = NC * NS
CH = 128
NCH = 80
EP = NW * NCH * CH
RPS = NPAD // NS


@functools.cache
def _make_deg_kernel():
    mesh = plsc.VectorSubcoreMesh(core_axis_name="c", subcore_axis_name="s")

    @functools.partial(
        pl.kernel,
        mesh=mesh,
        out_type=jax.ShapeDtypeStruct((NC, NPAD, 16), jnp.float32),
        scratch_types=[
            pltpu.VMEM((NCH, CH), jnp.int32),
            pltpu.VMEM((CH, 16), jnp.float32),
            pltpu.VMEM_SHARED((NPAD, 16), jnp.float32),
        ],
        compiler_params=pltpu.CompilerParams(use_tc_tiling_on_sc=False),
    )
    def deg_kernel(dst3d, ones_hbm, zeros_hbm, out_hbm, dst_v, ones_v, acc_s):
        cid = lax.axis_index("c")
        sid = lax.axis_index("s")
        wid = cid * NS + sid
        pltpu.sync_copy(zeros_hbm.at[pl.ds(sid * RPS, RPS)],
                        acc_s.at[pl.ds(sid * RPS, RPS)])
        pltpu.sync_copy(dst3d.at[wid], dst_v)
        pltpu.sync_copy(ones_hbm, ones_v)
        plsc.subcore_barrier()

        def body(j, carry):
            pltpu.sync_copy(ones_v, acc_s.at[dst_v.at[j]], add=True)
            return carry

        lax.fori_loop(0, NCH, body, 0)
        plsc.subcore_barrier()
        pltpu.sync_copy(acc_s.at[pl.ds(sid * RPS, RPS)],
                        out_hbm.at[cid, pl.ds(sid * RPS, RPS)])

    return deg_kernel


@functools.cache
def _make_agg_kernel(D, NB, CHk, NCHk, tiled):
    mesh = plsc.VectorSubcoreMesh(core_axis_name="c", subcore_axis_name="s")

    @functools.partial(
        pl.kernel,
        mesh=mesh,
        out_type=jax.ShapeDtypeStruct((NC, NPAD, D), jnp.float32),
        scratch_types=[
            pltpu.VMEM((NCHk, CHk), jnp.int32),
            pltpu.VMEM((NCHk, CHk), jnp.int32),
            [pltpu.VMEM((CHk, D), jnp.float32)] * NB,
            [pltpu.SemaphoreType.DMA] * NB,
            [pltpu.SemaphoreType.DMA] * NB,
            pltpu.VMEM_SHARED((NPAD, D), jnp.float32),
        ],
        compiler_params=pltpu.CompilerParams(use_tc_tiling_on_sc=tiled),
    )
    def agg_kernel(hs_hbm, src3d, dst3d, zeros_hbm, out_hbm,
                   src_v, dst_v, rows, sem_g, sem_s, acc_s):
        cid = lax.axis_index("c")
        sid = lax.axis_index("s")
        wid = cid * NS + sid
        pltpu.sync_copy(zeros_hbm.at[pl.ds(sid * RPS, RPS)],
                        acc_s.at[pl.ds(sid * RPS, RPS)])
        pltpu.sync_copy(src3d.at[wid], src_v)
        pltpu.sync_copy(dst3d.at[wid], dst_v)
        plsc.subcore_barrier()

        def g_start(b, j):
            pltpu.make_async_copy(
                hs_hbm.at[src_v.at[j]], rows[b], sem_g[b]).start()

        def g_wait(b):
            pltpu.make_async_copy(
                hs_hbm.at[src_v.at[0]], rows[b], sem_g[b]).wait()

        def s_start(b, j):
            pltpu.make_async_copy(
                rows[b], acc_s.at[dst_v.at[j]], sem_s[b]).start(add=True)

        def s_wait(b):
            pltpu.make_async_copy(
                rows[b], acc_s.at[dst_v.at[0]], sem_s[b]).wait()

        for b in range(NB):
            g_start(b, b)

        def group(gi, carry):
            base = gi * NB
            for b in range(NB):
                g_wait(b)
                s_start(b, base + b)
            for b in range(NB):
                jn = base + b + NB

                @pl.when(jn < NCHk)
                def _(b=b, jn=jn):
                    s_wait(b)
                    g_start(b, jn)

            return carry

        lax.fori_loop(0, NCHk // NB, group, 0)
        for b in range(NB):
            s_wait(b)
        plsc.subcore_barrier()
        pltpu.sync_copy(acc_s.at[pl.ds(sid * RPS, RPS)],
                        out_hbm.at[cid, pl.ds(sid * RPS, RPS)])

    return agg_kernel



_RB = 1024
_NB = NPAD // _RB


def _tc_b_body(x_ref, w_ref, deg_ref, hs_ref, dis_ref):
    deg = deg_ref[0, :, 0:1] + deg_ref[1, :, 0:1] + 1.0
    dis = lax.rsqrt(deg)
    h = jnp.dot(x_ref[...], w_ref[...], preferred_element_type=jnp.float32)
    hs_ref[...] = h * dis
    dis_ref[...] = jnp.broadcast_to(dis, (_RB, 16))


def _tc_d_body(acc_ref, hs_ref, dis_ref, b1_ref, w2_ref, out_ref):
    dis = dis_ref[:, 0:1]
    pre = (acc_ref[0] + acc_ref[1] + hs_ref[...]) * dis + b1_ref[...]
    h = jnp.maximum(pre, 0.0)
    out_ref[...] = jnp.dot(h, w2_ref[...],
                           preferred_element_type=jnp.float32) * dis


def _tc_f_body(acc_ref, hs_ref, dis_ref, b2_ref, out_ref):
    out_ref[...] = dis_ref[...] * (acc_ref[0] + acc_ref[1] + hs_ref[...]) \
        + b2_ref[...]


def _tc_b(x_pad, W1, degp):
    return pl.pallas_call(
        _tc_b_body,
        grid=(_NB,),
        in_specs=[
            pl.BlockSpec((_RB, D_IN), lambda i: (i, 0)),
            pl.BlockSpec((D_IN, HID), lambda i: (0, 0)),
            pl.BlockSpec((NC, _RB, 16), lambda i: (0, i, 0)),
        ],
        out_specs=[
            pl.BlockSpec((_RB, HID), lambda i: (i, 0)),
            pl.BlockSpec((_RB, 16), lambda i: (i, 0)),
        ],
        out_shape=[
            jax.ShapeDtypeStruct((NPAD, HID), jnp.float32),
            jax.ShapeDtypeStruct((NPAD, 16), jnp.float32),
        ],
    )(x_pad, W1, degp)


def _tc_d(acc1, hs1, dis16, b1, W2):
    return pl.pallas_call(
        _tc_d_body,
        grid=(_NB,),
        in_specs=[
            pl.BlockSpec((NC, _RB, HID), lambda i: (0, i, 0)),
            pl.BlockSpec((_RB, HID), lambda i: (i, 0)),
            pl.BlockSpec((_RB, 16), lambda i: (i, 0)),
            pl.BlockSpec((1, HID), lambda i: (0, 0)),
            pl.BlockSpec((HID, N_CLS), lambda i: (0, 0)),
        ],
        out_specs=pl.BlockSpec((_RB, N_CLS), lambda i: (i, 0)),
        out_shape=jax.ShapeDtypeStruct((NPAD, N_CLS), jnp.float32),
    )(acc1, hs1, dis16, b1, W2)


def _tc_f(acc2, hs2, dis16, b2):
    return pl.pallas_call(
        _tc_f_body,
        grid=(_NB,),
        in_specs=[
            pl.BlockSpec((NC, _RB, N_CLS), lambda i: (0, i, 0)),
            pl.BlockSpec((_RB, N_CLS), lambda i: (i, 0)),
            pl.BlockSpec((_RB, 16), lambda i: (i, 0)),
            pl.BlockSpec((1, N_CLS), lambda i: (0, 0)),
        ],
        out_specs=pl.BlockSpec((_RB, N_CLS), lambda i: (i, 0)),
        out_shape=jax.ShapeDtypeStruct((NPAD, N_CLS), jnp.float32),
    )(acc2, hs2, dis16, b2)


def kernel(x, edge_index, W1, b1, W2, b2):
    pad_idx = N + jnp.arange(EP - E, dtype=jnp.int32) % (NPAD - N)
    pad_src = pad_idx
    pad_dst = pad_idx
    EP2 = NW * 108 * 96
    pad2 = N + jnp.arange(EP2 - E, dtype=jnp.int32) % (NPAD - N)
    src3d96 = jnp.concatenate([edge_index[0], pad2]).reshape(NW, 108, 96)
    dst3d96 = jnp.concatenate([edge_index[1], pad2]).reshape(NW, 108, 96)
    src3d = jnp.concatenate([edge_index[0], pad_src]).reshape(NW, NCH, CH)
    dst3d = jnp.concatenate([edge_index[1], pad_dst]).reshape(NW, NCH, CH)
    x_pad = jnp.pad(x, ((0, NPAD - N), (0, 0)))
    ones16 = jnp.ones((CH, 16), jnp.float32)
    zeros16 = jnp.zeros((NPAD, 16), jnp.float32)
    zeros128 = jnp.zeros((NPAD, HID), jnp.float32)

    degp = _make_deg_kernel()(dst3d, ones16, zeros16)
    hs1, dis16 = _tc_b(x_pad, W1, degp)
    acc1 = _make_agg_kernel(HID, 2, 96, 108, False)(
        hs1, src3d96, dst3d96, zeros128)
    hs2 = _tc_d(acc1, hs1, dis16, b1.reshape(1, HID), W2)
    acc2 = _make_agg_kernel(N_CLS, 4, CH, NCH, False)(
        hs2, src3d, dst3d, zeros16)
    out = _tc_f(acc2, hs2, dis16, b2.reshape(1, N_CLS))
    return out[:N]

# --- scband reference (transcript-rebuilt; emitter-appended) ---
"""Pipeline reference for scband-gcn-4801773437488 (READ-ONLY COPY).

The authoritative reference and input builder live on the scoring server;
editing this copy changes nothing except your own understanding.
"""

import jax, jax.numpy as jnp
import numpy as np

N = 10000
E = 320000
D_IN = 128
HID = 128
N_CLS = 16


def setup_inputs(seed: int = 0) -> dict:
    key = jax.random.key(seed)
    k1, k2, k3, k4, k5, k6 = jax.random.split(key, 6)
    x = jax.random.normal(k1, (N, D_IN), dtype=jnp.float32)
    edge_index = jax.random.randint(k2, (2, E), 0, N, dtype=jnp.int32)
    W1 = jax.random.normal(k3, (D_IN, HID), dtype=jnp.float32) * (1.0 / np.sqrt(D_IN))
    b1 = jnp.zeros((HID,), dtype=jnp.float32)
    W2 = jax.random.normal(k4, (HID, N_CLS), dtype=jnp.float32) * (1.0 / np.sqrt(HID))
    b2 = jnp.zeros((N_CLS,), dtype=jnp.float32)
    return {"x": x, "edge_index": edge_index, "W1": W1, "b1": b1, "W2": W2, "b2": b2}


def _gcn_norm(edge_index, dtype):
    src = edge_index[0]
    dst = edge_index[1]
    loop = jnp.arange(N, dtype=src.dtype)
    src = jnp.concatenate([src, loop])
    dst = jnp.concatenate([dst, loop])
    deg = jnp.zeros((N,), dtype=dtype).at[dst].add(1.0)
    dis = jnp.where(deg > 0, 1.0 / jnp.sqrt(deg), 0.0)
    norm = dis[src] * dis[dst]
    return src, dst, norm


def _gcn_conv(x, src, dst, norm, W, b):
    h = x @ W
    msgs = h[src] * norm[:, None]
    out = jnp.zeros((N, W.shape[1]), dtype=x.dtype).at[dst].add(msgs)
    return out + b


def reference(x, edge_index, W1, b1, W2, b2):
    src, dst, norm = _gcn_norm(edge_index, x.dtype)
    h = _gcn_conv(x, src, dst, norm, W1, b1)
    h = jax.nn.relu(h)
    # dropout p=0.5 is identity in eval mode (training=False)
    out = _gcn_conv(h, src, dst, norm, W2, b2)
    return out

if __name__ == "__main__":
    import jax
    _d = setup_inputs()
    print(jax.jit(kernel)(*tuple(_d.values())))

</pallas_src>

<mosaic_0001>
#map = affine_map<(d0, d1) -> (0, 0, 0)>
#map1 = affine_map<(d0, d1) -> (0, 0)>
module attributes {stable_mosaic.version = 14 : i64} {
  func.func @deg_kernel(%arg0: i32, %arg1: i32, %arg2: memref<32x80x128xi32, #tpu.memory_space<hbm>>, %arg3: memref<128x16xf32, #tpu.memory_space<hbm>>, %arg4: memref<10240x16xf32, #tpu.memory_space<hbm>>, %arg5: memref<2x10240x16xf32, #tpu.memory_space<hbm>>, %arg6: memref<80x128xi32, #tpu.memory_space<vmem>>, %arg7: memref<128x16xf32, #tpu.memory_space<vmem>>, %arg8: memref<10240x16xf32, #tpu.memory_space<vmem_shared>>) attributes {dimension_semantics = [#tpu.dimension_semantics<core_parallel>, #tpu.dimension_semantics<subcore_parallel>], iteration_bounds = array<i64: 2, 16>, scalar_prefetch = 0 : i64, scratch_operands = 3 : i64, tpu.core_type = #tpu.core_type<sc_vector_subcore>, window_params = [{transform_indices = #map}, {transform_indices = #map1}, {transform_indices = #map1}, {transform_indices = #map}]} {
    %mul3A = arith.constant 16 : i32
    %mul3A_0 = arith.muli %arg0, %mul3A : i32
    %add3A = arith.addi %mul3A_0, %arg1 : i32
    %mul3A_1 = arith.constant 640 : i32
    %mul3A_2 = arith.muli %arg1, %mul3A_1 : i32
    %mul3A_3 = arith.constant 640 : i32
    %mul3A_4 = arith.muli %arg1, %mul3A_3 : i32
    "tpu.region"() ({
      %run_scoped3A = tpu.sem_alloc : memref<!tpu.dma_semaphore, #tpu.memory_space<semaphore_mem>>
      %dma_start3A = arith.constant 0 : i32
      %dma_start3A_15 = tpu.memref_slice %arg8[%mul3A_4, %dma_start3A] : memref<10240x16xf32, #tpu.memory_space<vmem_shared>> -> memref<640x16xf32, #tpu.memory_space<vmem_shared>>
      %dma_start3A_16 = arith.constant 0 : i32
      %dma_start3A_17 = tpu.memref_slice %arg4[%mul3A_2, %dma_start3A_16] : memref<10240x16xf32, #tpu.memory_space<hbm>> -> memref<640x16xf32, #tpu.memory_space<hbm>>
      tpu.enqueue_dma source(%dma_start3A_17 : memref<640x16xf32, #tpu.memory_space<hbm>>) target(%dma_start3A_15 : memref<640x16xf32, #tpu.memory_space<vmem_shared>>) target_semaphore(%run_scoped3A : memref<!tpu.dma_semaphore, #tpu.memory_space<semaphore_mem>>)
      %dma_wait3A = arith.constant 0 : i32
      %dma_wait3A_18 = tpu.memref_slice %arg8[%mul3A_4, %dma_wait3A] : memref<10240x16xf32, #tpu.memory_space<vmem_shared>> -> memref<640x16xf32, #tpu.memory_space<vmem_shared>>
      %dma_wait3A_19 = arith.constant 0 : i32
      %dma_wait3A_20 = tpu.memref_slice %arg4[%mul3A_2, %dma_wait3A_19] : memref<10240x16xf32, #tpu.memory_space<hbm>> -> memref<640x16xf32, #tpu.memory_space<hbm>>
      tpu.wait_dma2 semaphore(%run_scoped3A : memref<!tpu.dma_semaphore, #tpu.memory_space<semaphore_mem>>) src(%dma_wait3A_20 : memref<640x16xf32, #tpu.memory_space<hbm>>) dst(%dma_wait3A_18 : memref<640x16xf32, #tpu.memory_space<vmem_shared>>)
      tpu.yield
    }) : () -> ()
    "tpu.region"() ({
      %run_scoped3A = tpu.sem_alloc : memref<!tpu.dma_semaphore, #tpu.memory_space<semaphore_mem>>
      %dma_start3A = arith.constant 0 : i32
      %dma_start3A_15 = arith.constant 0 : i32
      %dma_start3A_16 = tpu.memref_slice %arg2[%add3A, %dma_start3A, %dma_start3A_15] : memref<32x80x128xi32, #tpu.memory_space<hbm>> -> memref<1x80x128xi32, #tpu.memory_space<hbm>>
      %dma_start3A_17 = tpu.memref_squeeze %dma_start3A_16 : memref<1x80x128xi32, #tpu.memory_space<hbm>> -> memref<80x128xi32, #tpu.memory_space<hbm>>
      %dma_start3A_18 = arith.constant 0 : i32
      %dma_start3A_19 = arith.constant 0 : i32
      %dma_start3A_20 = tpu.memref_slice %arg2[%add3A, %dma_start3A_18, %dma_start3A_19] : memref<32x80x128xi32, #tpu.memory_space<hbm>> -> memref<1x80x128xi32, #tpu.memory_space<hbm>>
      %dma_start3A_21 = tpu.memref_squeeze %dma_start3A_20 : memref<1x80x128xi32, #tpu.memory_space<hbm>> -> memref<80x128xi32, #tpu.memory_space<hbm>>
      tpu.enqueue_dma source(%dma_start3A_21 : memref<80x128xi32, #tpu.memory_space<hbm>>) target(%arg6 : memref<80x128xi32, #tpu.memory_space<vmem>>) target_semaphore(%run_scoped3A : memref<!tpu.dma_semaphore, #tpu.memory_space<semaphore_mem>>)
      %dma_wait3A = arith.constant 0 : i32
      %dma_wait3A_22 = arith.constant 0 : i32
      %dma_wait3A_23 = tpu.memref_slice %arg2[%add3A, %dma_wait3A, %dma_wait3A_22] : memref<32x80x128xi32, #tpu.memory_space<hbm>> -> memref<1x80x128xi32, #tpu.memory_space<hbm>>
      %dma_wait3A_24 = tpu.memref_squeeze %dma_wait3A_23 : memref<1x80x128xi32, #tpu.memory_space<hbm>> -> memref<80x128xi32, #tpu.memory_space<hbm>>
      %dma_wait3A_25 = arith.constant 0 : i32
      %dma_wait3A_26 = arith.constant 0 : i32
      %dma_wait3A_27 = tpu.memref_slice %arg2[%add3A, %dma_wait3A_25, %dma_wait3A_26] : memref<32x80x128xi32, #tpu.memory_space<hbm>> -> memref<1x80x128xi32, #tpu.memory_space<hbm>>
      %dma_wait3A_28 = tpu.memref_squeeze %dma_wait3A_27 : memref<1x80x128xi32, #tpu.memory_space<hbm>> -> memref<80x128xi32, #tpu.memory_space<hbm>>
      tpu.wait_dma2 semaphore(%run_scoped3A : memref<!tpu.dma_semaphore, #tpu.memory_space<semaphore_mem>>) src(%dma_wait3A_28 : memref<80x128xi32, #tpu.memory_space<hbm>>) dst(%arg6 : memref<80x128xi32, #tpu.memory_space<vmem>>)
      tpu.yield
    }) : () -> ()
    "tpu.region"() ({
      %run_scoped3A = tpu.sem_alloc : memref<!tpu.dma_semaphore, #tpu.memory_space<semaphore_mem>>
      tpu.enqueue_dma source(%arg3 : memref<128x16xf32, #tpu.memory_space<hbm>>) target(%arg7 : memref<128x16xf32, #tpu.memory_space<vmem>>) target_semaphore(%run_scoped3A : memref<!tpu.dma_semaphore, #tpu.memory_space<semaphore_mem>>)
      tpu.wait_dma2 semaphore(%run_scoped3A : memref<!tpu.dma_semaphore, #tpu.memory_space<semaphore_mem>>) src(%arg3 : memref<128x16xf32, #tpu.memory_space<hbm>>) dst(%arg7 : memref<128x16xf32, #tpu.memory_space<vmem>>)
      tpu.yield
    }) : () -> ()
    %barrier3A = arith.constant 0 : index
    tpu.barrier barrier_id(%barrier3A)
    %scan3A = arith.constant 0 : i32
    %scan3A_5 = arith.constant 0 : i32
    %scan3A_6 = arith.constant 80 : i32
    %scan3A_7 = arith.addi %scan3A_5, %scan3A_6 : i32
    %scan3A_8 = arith.constant 1 : i32
    scf.for %scan3A_15 = %scan3A_5 to %scan3A_7 step %scan3A_8  : i32 {
      "tpu.region"() ({
        %run_scoped3A = tpu.sem_alloc : memref<!tpu.dma_semaphore, #tpu.memory_space<semaphore_mem>>
        %dma_start3A = arith.constant 0 : i32
        %dma_start3A_16 = tpu.memref_slice %arg6[%scan3A_15, %dma_start3A] : memref<80x128xi32, #tpu.memory_space<vmem>> -> memref<1x128xi32, #tpu.memory_space<vmem>>
        %dma_start3A_17 = tpu.memref_squeeze %dma_start3A_16 : memref<1x128xi32, #tpu.memory_space<vmem>> -> memref<128xi32, #tpu.memory_space<vmem>>
        %dma_start3A_18 = arith.constant 0 : i32
        %dma_start3A_19 = arith.constant 0 : i32
        %dma_start3A_20 = tpu.memref_slice %arg8[%dma_start3A_18, %dma_start3A_19] : memref<10240x16xf32, #tpu.memory_space<vmem_shared>> -> memref<10240x16xf32, #tpu.memory_space<vmem_shared>>
        tpu.enqueue_indirect_dma source(%arg7 : memref<128x16xf32, #tpu.memory_space<vmem>>) target(%dma_start3A_20 : memref<10240x16xf32, #tpu.memory_space<vmem_shared>>) offsets(%dma_start3A_17 : memref<128xi32, #tpu.memory_space<vmem>>) semaphore(%run_scoped3A : memref<!tpu.dma_semaphore, #tpu.memory_space<semaphore_mem>>) {add = true}
        %dma_wait3A = arith.constant 0 : i32
        %dma_wait3A_21 = tpu.memref_slice %arg6[%scan3A_15, %dma_wait3A] : memref<80x128xi32, #tpu.memory_space<vmem>> -> memref<1x128xi32, #tpu.memory_space<vmem>>
        %dma_wait3A_22 = tpu.memref_squeeze %dma_wait3A_21 : memref<1x128xi32, #tpu.memory_space<vmem>> -> memref<128xi32, #tpu.memory_space<vmem>>
        %dma_wait3A_23 = arith.constant 0 : i32
        %dma_wait3A_24 = arith.constant 0 : i32
        %dma_wait3A_25 = tpu.memref_slice %arg8[%dma_wait3A_23, %dma_wait3A_24] : memref<10240x16xf32, #tpu.memory_space<vmem_shared>> -> memref<10240x16xf32, #tpu.memory_space<vmem_shared>>
        tpu.wait_indirect_dma semaphore(%run_scoped3A : memref<!tpu.dma_semaphore, #tpu.memory_space<semaphore_mem>>) src(%arg7 : memref<128x16xf32, #tpu.memory_space<vmem>>) dst(%dma_wait3A_25 : memref<10240x16xf32, #tpu.memory_space<vmem_shared>>)
        tpu.yield
      }) : () -> ()
    }
    %scan3A_9 = arith.constant 80 : i32
    %barrier3A_10 = arith.constant 0 : index
    tpu.barrier barrier_id(%barrier3A_10)
    %mul3A_11 = arith.constant 640 : i32
    %mul3A_12 = arith.muli %arg1, %mul3A_11 : i32
    %mul3A_13 = arith.constant 640 : i32
    %mul3A_14 = arith.muli %arg1, %mul3A_13 : i32
    "tpu.region"() ({
      %run_scoped3A = tpu.sem_alloc : memref<!tpu.dma_semaphore, #tpu.memory_space<semaphore_mem>>
      %dma_start3A = arith.constant 0 : i32
      %dma_start3A_15 = tpu.memref_slice %arg5[%arg0, %mul3A_14, %dma_start3A] : memref<2x10240x16xf32, #tpu.memory_space<hbm>> -> memref<1x640x16xf32, #tpu.memory_space<hbm>>
      %dma_start3A_16 = tpu.memref_squeeze %dma_start3A_15 : memref<1x640x16xf32, #tpu.memory_space<hbm>> -> memref<640x16xf32, #tpu.memory_space<hbm>>
      %dma_start3A_17 = arith.constant 0 : i32
      %dma_start3A_18 = tpu.memref_slice %arg8[%mul3A_12, %dma_start3A_17] : memref<10240x16xf32, #tpu.memory_space<vmem_shared>> -> memref<640x16xf32, #tpu.memory_space<vmem_shared>>
      tpu.enqueue_dma source(%dma_start3A_18 : memref<640x16xf32, #tpu.memory_space<vmem_shared>>) target(%dma_start3A_16 : memref<640x16xf32, #tpu.memory_space<hbm>>) target_semaphore(%run_scoped3A : memref<!tpu.dma_semaphore, #tpu.memory_space<semaphore_mem>>)
      %dma_wait3A = arith.constant 0 : i32
      %dma_wait3A_19 = tpu.memref_slice %arg5[%arg0, %mul3A_14, %dma_wait3A] : memref<2x10240x16xf32, #tpu.memory_space<hbm>> -> memref<1x640x16xf32, #tpu.memory_space<hbm>>
      %dma_wait3A_20 = tpu.memref_squeeze %dma_wait3A_19 : memref<1x640x16xf32, #tpu.memory_space<hbm>> -> memref<640x16xf32, #tpu.memory_space<hbm>>
      %dma_wait3A_21 = arith.constant 0 : i32
      %dma_wait3A_22 = tpu.memref_slice %arg8[%mul3A_12, %dma_wait3A_21] : memref<10240x16xf32, #tpu.memory_space<vmem_shared>> -> memref<640x16xf32, #tpu.memory_space<vmem_shared>>
      tpu.wait_dma2 semaphore(%run_scoped3A : memref<!tpu.dma_semaphore, #tpu.memory_space<semaphore_mem>>) src(%dma_wait3A_22 : memref<640x16xf32, #tpu.memory_space<vmem_shared>>) dst(%dma_wait3A_20 : memref<640x16xf32, #tpu.memory_space<hbm>>)
      tpu.yield
    }) : () -> ()
    return
  }
}

#map = affine_map<(d0, d1) -> (0, 0)>
#map1 = affine_map<(d0, d1) -> (0, 0, 0)>
module attributes {stable_mosaic.version = 14 : i64} {
  func.func @agg_kernel(%arg0: i32, %arg1: i32, %arg2: memref<10240x128xf32, #tpu.memory_space<hbm>>, %arg3: memref<32x108x96xi32, #tpu.memory_space<hbm>>, %arg4: memref<32x108x96xi32, #tpu.memory_space<hbm>>, %arg5: memref<10240x128xf32, #tpu.memory_space<hbm>>, %arg6: memref<2x10240x128xf32, #tpu.memory_space<hbm>>, %arg7: memref<108x96xi32, #tpu.memory_space<vmem>>, %arg8: memref<108x96xi32, #tpu.memory_space<vmem>>, %arg9: memref<96x128xf32, #tpu.memory_space<vmem>>, %arg10: memref<96x128xf32, #tpu.memory_space<vmem>>, %arg11: memref<!tpu.dma_semaphore, #tpu.memory_space<semaphore_mem>>, %arg12: memref<!tpu.dma_semaphore, #tpu.memory_space<semaphore_mem>>, %arg13: memref<!tpu.dma_semaphore, #tpu.memory_space<semaphore_mem>>, %arg14: memref<!tpu.dma_semaphore, #tpu.memory_space<semaphore_mem>>, %arg15: memref<10240x128xf32, #tpu.memory_space<vmem_shared>>) attributes {dimension_semantics = [#tpu.dimension_semantics<core_parallel>, #tpu.dimension_semantics<subcore_parallel>], iteration_bounds = array<i64: 2, 16>, scalar_prefetch = 0 : i64, scratch_operands = 9 : i64, tpu.core_type = #tpu.core_type<sc_vector_subcore>, window_params = [{transform_indices = #map}, {transform_indices = #map1}, {transform_indices = #map1}, {transform_indices = #map}, {transform_indices = #map1}]} {
    %mul3A = arith.constant 16 : i32
    %mul3A_0 = arith.muli %arg0, %mul3A : i32
    %add3A = arith.addi %mul3A_0, %arg1 : i32
    %mul3A_1 = arith.constant 640 : i32
    %mul3A_2 = arith.muli %arg1, %mul3A_1 : i32
    %mul3A_3 = arith.constant 640 : i32
    %mul3A_4 = arith.muli %arg1, %mul3A_3 : i32
    "tpu.region"() ({
      %run_scoped3A = tpu.sem_alloc : memref<!tpu.dma_semaphore, #tpu.memory_space<semaphore_mem>>
      %dma_start3A_41 = arith.constant 0 : i32
      %dma_start3A_42 = tpu.memref_slice %arg15[%mul3A_4, %dma_start3A_41] : memref<10240x128xf32, #tpu.memory_space<vmem_shared>> -> memref<640x128xf32, #tpu.memory_space<vmem_shared>>
      %dma_start3A_43 = arith.constant 0 : i32
      %dma_start3A_44 = tpu.memref_slice %arg5[%mul3A_2, %dma_start3A_43] : memref<10240x128xf32, #tpu.memory_space<hbm>> -> memref<640x128xf32, #tpu.memory_space<hbm>>
      tpu.enqueue_dma source(%dma_start3A_44 : memref<640x128xf32, #tpu.memory_space<hbm>>) target(%dma_start3A_42 : memref<640x128xf32, #tpu.memory_space<vmem_shared>>) target_semaphore(%run_scoped3A : memref<!tpu.dma_semaphore, #tpu.memory_space<semaphore_mem>>)
      %dma_wait3A_45 = arith.constant 0 : i32
      %dma_wait3A_46 = tpu.memref_slice %arg15[%mul3A_4, %dma_wait3A_45] : memref<10240x128xf32, #tpu.memory_space<vmem_shared>> -> memref<640x128xf32, #tpu.memory_space<vmem_shared>>
      %dma_wait3A_47 = arith.constant 0 : i32
      %dma_wait3A_48 = tpu.memref_slice %arg5[%mul3A_2, %dma_wait3A_47] : memref<10240x128xf32, #tpu.memory_space<hbm>> -> memref<640x128xf32, #tpu.memory_space<hbm>>
      tpu.wait_dma2 semaphore(%run_scoped3A : memref<!tpu.dma_semaphore, #tpu.memory_space<semaphore_mem>>) src(%dma_wait3A_48 : memref<640x128xf32, #tpu.memory_space<hbm>>) dst(%dma_wait3A_46 : memref<640x128xf32, #tpu.memory_space<vmem_shared>>)
      tpu.yield
    }) : () -> ()
    "tpu.region"() ({
      %run_scoped3A = tpu.sem_alloc : memref<!tpu.dma_semaphore, #tpu.memory_space<semaphore_mem>>
      %dma_start3A_41 = arith.constant 0 : i32
      %dma_start3A_42 = arith.constant 0 : i32
      %dma_start3A_43 = tpu.memref_slice %arg3[%add3A, %dma_start3A_41, %dma_start3A_42] : memref<32x108x96xi32, #tpu.memory_space<hbm>> -> memref<1x108x96xi32, #tpu.memory_space<hbm>>
      %dma_start3A_44 = tpu.memref_squeeze %dma_start3A_43 : memref<1x108x96xi32, #tpu.memory_space<hbm>> -> memref<108x96xi32, #tpu.memory_space<hbm>>
      %dma_start3A_45 = arith.constant 0 : i32
      %dma_start3A_46 = arith.constant 0 : i32
      %dma_start3A_47 = tpu.memref_slice %arg3[%add3A, %dma_start3A_45, %dma_start3A_46] : memref<32x108x96xi32, #tpu.memory_space<hbm>> -> memref<1x108x96xi32, #tpu.memory_space<hbm>>
      %dma_start3A_48 = tpu.memref_squeeze %dma_start3A_47 : memref<1x108x96xi32, #tpu.memory_space<hbm>> -> memref<108x96xi32, #tpu.memory_space<hbm>>
      tpu.enqueue_dma source(%dma_start3A_48 : memref<108x96xi32, #tpu.memory_space<hbm>>) target(%arg7 : memref<108x96xi32, #tpu.memory_space<vmem>>) target_semaphore(%run_scoped3A : memref<!tpu.dma_semaphore, #tpu.memory_space<semaphore_mem>>)
      %dma_wait3A_49 = arith.constant 0 : i32
      %dma_wait3A_50 = arith.constant 0 : i32
      %dma_wait3A_51 = tpu.memref_slice %arg3[%add3A, %dma_wait3A_49, %dma_wait3A_50] : memref<32x108x96xi32, #tpu.memory_space<hbm>> -> memref<1x108x96xi32, #tpu.memory_space<hbm>>
      %dma_wait3A_52 = tpu.memref_squeeze %dma_wait3A_51 : memref<1x108x96xi32, #tpu.memory_space<hbm>> -> memref<108x96xi32, #tpu.memory_space<hbm>>
      %dma_wait3A_53 = arith.constant 0 : i32
      %dma_wait3A_54 = arith.constant 0 : i32
      %dma_wait3A_55 = tpu.memref_slice %arg3[%add3A, %dma_wait3A_53, %dma_wait3A_54] : memref<32x108x96xi32, #tpu.memory_space<hbm>> -> memref<1x108x96xi32, #tpu.memory_space<hbm>>
      %dma_wait3A_56 = tpu.memref_squeeze %dma_wait3A_55 : memref<1x108x96xi32, #tpu.memory_space<hbm>> -> memref<108x96xi32, #tpu.memory_space<hbm>>
      tpu.wait_dma2 semaphore(%run_scoped3A : memref<!tpu.dma_semaphore, #tpu.memory_space<semaphore_mem>>) src(%dma_wait3A_56 : memref<108x96xi32, #tpu.memory_space<hbm>>) dst(%arg7 : memref<108x96xi32, #tpu.memory_space<vmem>>)
      tpu.yield
    }) : () -> ()
    "tpu.region"() ({
      %run_scoped3A = tpu.sem_alloc : memref<!tpu.dma_semaphore, #tpu.memory_space<semaphore_mem>>
      %dma_start3A_41 = arith.constant 0 : i32
      %dma_start3A_42 = arith.constant 0 : i32
      %dma_start3A_43 = tpu.memref_slice %arg4[%add3A, %dma_start3A_41, %dma_start3A_42] : memref<32x108x96xi32, #tpu.memory_space<hbm>> -> memref<1x108x96xi32, #tpu.memory_space<hbm>>
      %dma_start3A_44 = tpu.memref_squeeze %dma_start3A_43 : memref<1x108x96xi32, #tpu.memory_space<hbm>> -> memref<108x96xi32, #tpu.memory_space<hbm>>
      %dma_start3A_45 = arith.constant 0 : i32
      %dma_start3A_46 = arith.constant 0 : i32
      %dma_start3A_47 = tpu.memref_slice %arg4[%add3A, %dma_start3A_45, %dma_start3A_46] : memref<32x108x96xi32, #tpu.memory_space<hbm>> -> memref<1x108x96xi32, #tpu.memory_space<hbm>>
      %dma_start3A_48 = tpu.memref_squeeze %dma_start3A_47 : memref<1x108x96xi32, #tpu.memory_space<hbm>> -> memref<108x96xi32, #tpu.memory_space<hbm>>
      tpu.enqueue_dma source(%dma_start3A_48 : memref<108x96xi32, #tpu.memory_space<hbm>>) target(%arg8 : memref<108x96xi32, #tpu.memory_space<vmem>>) target_semaphore(%run_scoped3A : memref<!tpu.dma_semaphore, #tpu.memory_space<semaphore_mem>>)
      %dma_wait3A_49 = arith.constant 0 : i32
      %dma_wait3A_50 = arith.constant 0 : i32
      %dma_wait3A_51 = tpu.memref_slice %arg4[%add3A, %dma_wait3A_49, %dma_wait3A_50] : memref<32x108x96xi32, #tpu.memory_space<hbm>> -> memref<1x108x96xi32, #tpu.memory_space<hbm>>
      %dma_wait3A_52 = tpu.memref_squeeze %dma_wait3A_51 : memref<1x108x96xi32, #tpu.memory_space<hbm>> -> memref<108x96xi32, #tpu.memory_space<hbm>>
      %dma_wait3A_53 = arith.constant 0 : i32
      %dma_wait3A_54 = arith.constant 0 : i32
      %dma_wait3A_55 = tpu.memref_slice %arg4[%add3A, %dma_wait3A_53, %dma_wait3A_54] : memref<32x108x96xi32, #tpu.memory_space<hbm>> -> memref<1x108x96xi32, #tpu.memory_space<hbm>>
      %dma_wait3A_56 = tpu.memref_squeeze %dma_wait3A_55 : memref<1x108x96xi32, #tpu.memory_space<hbm>> -> memref<108x96xi32, #tpu.memory_space<hbm>>
      tpu.wait_dma2 semaphore(%run_scoped3A : memref<!tpu.dma_semaphore, #tpu.memory_space<semaphore_mem>>) src(%dma_wait3A_56 : memref<108x96xi32, #tpu.memory_space<hbm>>) dst(%arg8 : memref<108x96xi32, #tpu.memory_space<vmem>>)
      tpu.yield
    }) : () -> ()
    %barrier3A = arith.constant 0 : index
    tpu.barrier barrier_id(%barrier3A)
    %dma_start3A = arith.constant 0 : i32
    %dma_start3A_5 = arith.constant 0 : i32
    %dma_start3A_6 = tpu.memref_slice %arg7[%dma_start3A, %dma_start3A_5] : memref<108x96xi32, #tpu.memory_space<vmem>> -> memref<1x96xi32, #tpu.memory_space<vmem>>
    %dma_start3A_7 = tpu.memref_squeeze %dma_start3A_6 : memref<1x96xi32, #tpu.memory_space<vmem>> -> memref<96xi32, #tpu.memory_space<vmem>>
    %dma_start3A_8 = arith.constant 0 : i32
    %dma_start3A_9 = arith.constant 0 : i32
    %dma_start3A_10 = tpu.memref_slice %arg2[%dma_start3A_8, %dma_start3A_9] : memref<10240x128xf32, #tpu.memory_space<hbm>> -> memref<10240x128xf32, #tpu.memory_space<hbm>>
    tpu.enqueue_indirect_dma source(%dma_start3A_10 : memref<10240x128xf32, #tpu.memory_space<hbm>>) target(%arg9 : memref<96x128xf32, #tpu.memory_space<vmem>>) offsets(%dma_start3A_7 : memref<96xi32, #tpu.memory_space<vmem>>) semaphore(%arg11 : memref<!tpu.dma_semaphore, #tpu.memory_space<semaphore_mem>>)
    %dma_start3A_11 = arith.constant 1 : i32
    %dma_start3A_12 = arith.constant 0 : i32
    %dma_start3A_13 = tpu.memref_slice %arg7[%dma_start3A_11, %dma_start3A_12] : memref<108x96xi32, #tpu.memory_space<vmem>> -> memref<1x96xi32, #tpu.memory_space<vmem>>
    %dma_start3A_14 = tpu.memref_squeeze %dma_start3A_13 : memref<1x96xi32, #tpu.memory_space<vmem>> -> memref<96xi32, #tpu.memory_space<vmem>>
    %dma_start3A_15 = arith.constant 0 : i32
    %dma_start3A_16 = arith.constant 0 : i32
    %dma_start3A_17 = tpu.memref_slice %arg2[%dma_start3A_15, %dma_start3A_16] : memref<10240x128xf32, #tpu.memory_space<hbm>> -> memref<10240x128xf32, #tpu.memory_space<hbm>>
    tpu.enqueue_indirect_dma source(%dma_start3A_17 : memref<10240x128xf32, #tpu.memory_space<hbm>>) target(%arg10 : memref<96x128xf32, #tpu.memory_space<vmem>>) offsets(%dma_start3A_14 : memref<96xi32, #tpu.memory_space<vmem>>) semaphore(%arg12 : memref<!tpu.dma_semaphore, #tpu.memory_space<semaphore_mem>>)
    %scan3A = arith.constant 0 : i32
    %scan3A_18 = arith.constant 0 : i32
    %scan3A_19 = arith.constant 54 : i32
    %scan3A_20 = arith.addi %scan3A_18, %scan3A_19 : i32
    %scan3A_21 = arith.constant 1 : i32
    scf.for %scan3A_41 = %scan3A_18 to %scan3A_20 step %scan3A_21  : i32 {
      %mul3A_42 = arith.constant 2 : i32
      %mul3A_43 = arith.muli %scan3A_41, %mul3A_42 : i32
      %dma_wait3A_44 = arith.constant 0 : i32
      %dma_wait3A_45 = arith.constant 0 : i32
      %dma_wait3A_46 = tpu.memref_slice %arg7[%dma_wait3A_44, %dma_wait3A_45] : memref<108x96xi32, #tpu.memory_space<vmem>> -> memref<1x96xi32, #tpu.memory_space<vmem>>
      %dma_wait3A_47 = tpu.memref_squeeze %dma_wait3A_46 : memref<1x96xi32, #tpu.memory_space<vmem>> -> memref<96xi32, #tpu.memory_space<vmem>>
      %dma_wait3A_48 = arith.constant 0 : i32
      %dma_wait3A_49 = arith.constant 0 : i32
      %dma_wait3A_50 = tpu.memref_slice %arg2[%dma_wait3A_48, %dma_wait3A_49] : memref<10240x128xf32, #tpu.memory_space<hbm>> -> memref<10240x128xf32, #tpu.memory_space<hbm>>
      tpu.wait_indirect_dma semaphore(%arg11 : memref<!tpu.dma_semaphore, #tpu.memory_space<semaphore_mem>>) src(%dma_wait3A_50 : memref<10240x128xf32, #tpu.memory_space<hbm>>) dst(%arg9 : memref<96x128xf32, #tpu.memory_space<vmem>>)
      %add3A_51 = arith.constant 0 : i32
      %add3A_52 = arith.addi %mul3A_43, %add3A_51 : i32
      %dma_start3A_53 = arith.constant 0 : i32
      %dma_start3A_54 = tpu.memref_slice %arg8[%add3A_52, %dma_start3A_53] : memref<108x96xi32, #tpu.memory_space<vmem>> -> memref<1x96xi32, #tpu.memory_space<vmem>>
      %dma_start3A_55 = tpu.memref_squeeze %dma_start3A_54 : memref<1x96xi32, #tpu.memory_space<vmem>> -> memref<96xi32, #tpu.memory_space<vmem>>
      %dma_start3A_56 = arith.constant 0 : i32
      %dma_start3A_57 = arith.constant 0 : i32
      %dma_start3A_58 = tpu.memref_slice %arg15[%dma_start3A_56, %dma_start3A_57] : memref<10240x128xf32, #tpu.memory_space<vmem_shared>> -> memref<10240x128xf32, #tpu.memory_space<vmem_shared>>
      tpu.enqueue_indirect_dma source(%arg9 : memref<96x128xf32, #tpu.memory_space<vmem>>) target(%dma_start3A_58 : memref<10240x128xf32, #tpu.memory_space<vmem_shared>>) offsets(%dma_start3A_55 : memref<96xi32, #tpu.memory_space<vmem>>) semaphore(%arg13 : memref<!tpu.dma_semaphore, #tpu.memory_space<semaphore_mem>>) {add = true}
      %dma_wait3A_59 = arith.constant 0 : i32
      %dma_wait3A_60 = arith.constant 0 : i32
      %dma_wait3A_61 = tpu.memref_slice %arg7[%dma_wait3A_59, %dma_wait3A_60] : memref<108x96xi32, #tpu.memory_space<vmem>> -> memref<1x96xi32, #tpu.memory_space<vmem>>
      %dma_wait3A_62 = tpu.memref_squeeze %dma_wait3A_61 : memref<1x96xi32, #tpu.memory_space<vmem>> -> memref<96xi32, #tpu.memory_space<vmem>>
      %dma_wait3A_63 = arith.constant 0 : i32
      %dma_wait3A_64 = arith.constant 0 : i32
      %dma_wait3A_65 = tpu.memref_slice %arg2[%dma_wait3A_63, %dma_wait3A_64] : memref<10240x128xf32, #tpu.memory_space<hbm>> -> memref<10240x128xf32, #tpu.memory_space<hbm>>
      tpu.wait_indirect_dma semaphore(%arg12 : memref<!tpu.dma_semaphore, #tpu.memory_space<semaphore_mem>>) src(%dma_wait3A_65 : memref<10240x128xf32, #tpu.memory_space<hbm>>) dst(%arg10 : memref<96x128xf32, #tpu.memory_space<vmem>>)
      %add3A_66 = arith.constant 1 : i32
      %add3A_67 = arith.addi %mul3A_43, %add3A_66 : i32
      %dma_start3A_68 = arith.constant 0 : i32
      %dma_start3A_69 = tpu.memref_slice %arg8[%add3A_67, %dma_start3A_68] : memref<108x96xi32, #tpu.memory_space<vmem>> -> memref<1x96xi32, #tpu.memory_space<vmem>>
      %dma_start3A_70 = tpu.memref_squeeze %dma_start3A_69 : memref<1x96xi32, #tpu.memory_space<vmem>> -> memref<96xi32, #tpu.memory_space<vmem>>
      %dma_start3A_71 = arith.constant 0 : i32
      %dma_start3A_72 = arith.constant 0 : i32
      %dma_start3A_73 = tpu.memref_slice %arg15[%dma_start3A_71, %dma_start3A_72] : memref<10240x128xf32, #tpu.memory_space<vmem_shared>> -> memref<10240x128xf32, #tpu.memory_space<vmem_shared>>
      tpu.enqueue_indirect_dma source(%arg10 : memref<96x128xf32, #tpu.memory_space<vmem>>) target(%dma_start3A_73 : memref<10240x128xf32, #tpu.memory_space<vmem_shared>>) offsets(%dma_start3A_70 : memref<96xi32, #tpu.memory_space<vmem>>) semaphore(%arg14 : memref<!tpu.dma_semaphore, #tpu.memory_space<semaphore_mem>>) {add = true}
      %add3A_74 = arith.constant 0 : i32
      %add3A_75 = arith.addi %mul3A_43, %add3A_74 : i32
      %add3A_76 = arith.constant 2 : i32
      %add3A_77 = arith.addi %add3A_75, %add3A_76 : i32
      %lt3A = arith.constant 108 : i32
      %lt3A_78 = arith.cmpi slt, %add3A_77, %lt3A : i32
      %convert_element_type3A = arith.extui %lt3A_78 : i1 to i32
      %cond3A = arith.constant 0 : i32
      %cond3A_79 = arith.cmpi ne, %convert_element_type3A, %cond3A : i32
      scf.if %cond3A_79 {
        %dma_wait3A_89 = arith.constant 0 : i32
        %dma_wait3A_90 = arith.constant 0 : i32
        %dma_wait3A_91 = tpu.memref_slice %arg8[%dma_wait3A_89, %dma_wait3A_90] : memref<108x96xi32, #tpu.memory_space<vmem>> -> memref<1x96xi32, #tpu.memory_space<vmem>>
        %dma_wait3A_92 = tpu.memref_squeeze %dma_wait3A_91 : memref<1x96xi32, #tpu.memory_space<vmem>> -> memref<96xi32, #tpu.memory_space<vmem>>
        %dma_wait3A_93 = arith.constant 0 : i32
        %dma_wait3A_94 = arith.constant 0 : i32
        %dma_wait3A_95 = tpu.memref_slice %arg15[%dma_wait3A_93, %dma_wait3A_94] : memref<10240x128xf32, #tpu.memory_space<vmem_shared>> -> memref<10240x128xf32, #tpu.memory_space<vmem_shared>>
        tpu.wait_indirect_dma semaphore(%arg13 : memref<!tpu.dma_semaphore, #tpu.memory_space<semaphore_mem>>) src(%arg9 : memref<96x128xf32, #tpu.memory_space<vmem>>) dst(%dma_wait3A_95 : memref<10240x128xf32, #tpu.memory_space<vmem_shared>>)
        %dma_start3A_96 = arith.constant 0 : i32
        %dma_start3A_97 = tpu.memref_slice %arg7[%add3A_77, %dma_start3A_96] : memref<108x96xi32, #tpu.memory_space<vmem>> -> memref<1x96xi32, #tpu.memory_space<vmem>>
        %dma_start3A_98 = tpu.memref_squeeze %dma_start3A_97 : memref<1x96xi32, #tpu.memory_space<vmem>> -> memref<96xi32, #tpu.memory_space<vmem>>
        %dma_start3A_99 = arith.constant 0 : i32
        %dma_start3A_100 = arith.constant 0 : i32
        %dma_start3A_101 = tpu.memref_slice %arg2[%dma_start3A_99, %dma_start3A_100] : memref<10240x128xf32, #tpu.memory_space<hbm>> -> memref<10240x128xf32, #tpu.memory_space<hbm>>
        tpu.enqueue_indirect_dma source(%dma_start3A_101 : memref<10240x128xf32, #tpu.memory_space<hbm>>) target(%arg9 : memref<96x128xf32, #tpu.memory_space<vmem>>) offsets(%dma_start3A_98 : memref<96xi32, #tpu.memory_space<vmem>>) semaphore(%arg11 : memref<!tpu.dma_semaphore, #tpu.memory_space<semaphore_mem>>)
      } else {
      }
      %add3A_80 = arith.constant 1 : i32
      %add3A_81 = arith.addi %mul3A_43, %add3A_80 : i32
      %add3A_82 = arith.constant 2 : i32
      %add3A_83 = arith.addi %add3A_81, %add3A_82 : i32
      %lt3A_84 = arith.constant 108 : i32
      %lt3A_85 = arith.cmpi slt, %add3A_83, %lt3A_84 : i32
      %convert_element_type3A_86 = arith.extui %lt3A_85 : i1 to i32
      %cond3A_87 = arith.constant 0 : i32
      %cond3A_88 = arith.cmpi ne, %convert_element_type3A_86, %cond3A_87 : i32
      scf.if %cond3A_88 {
        %dma_wait3A_89 = arith.constant 0 : i32
        %dma_wait3A_90 = arith.constant 0 : i32
        %dma_wait3A_91 = tpu.memref_slice %arg8[%dma_wait3A_89, %dma_wait3A_90] : memref<108x96xi32, #tpu.memory_space<vmem>> -> memref<1x96xi32, #tpu.memory_space<vmem>>
        %dma_wait3A_92 = tpu.memref_squeeze %dma_wait3A_91 : memref<1x96xi32, #tpu.memory_space<vmem>> -> memref<96xi32, #tpu.memory_space<vmem>>
        %dma_wait3A_93 = arith.constant 0 : i32
        %dma_wait3A_94 = arith.constant 0 : i32
        %dma_wait3A_95 = tpu.memref_slice %arg15[%dma_wait3A_93, %dma_wait3A_94] : memref<10240x128xf32, #tpu.memory_space<vmem_shared>> -> memref<10240x128xf32, #tpu.memory_space<vmem_shared>>
        tpu.wait_indirect_dma semaphore(%arg14 : memref<!tpu.dma_semaphore, #tpu.memory_space<semaphore_mem>>) src(%arg10 : memref<96x128xf32, #tpu.memory_space<vmem>>) dst(%dma_wait3A_95 : memref<10240x128xf32, #tpu.memory_space<vmem_shared>>)
        %dma_start3A_96 = arith.constant 0 : i32
        %dma_start3A_97 = tpu.memref_slice %arg7[%add3A_83, %dma_start3A_96] : memref<108x96xi32, #tpu.memory_space<vmem>> -> memref<1x96xi32, #tpu.memory_space<vmem>>
        %dma_start3A_98 = tpu.memref_squeeze %dma_start3A_97 : memref<1x96xi32, #tpu.memory_space<vmem>> -> memref<96xi32, #tpu.memory_space<vmem>>
        %dma_start3A_99 = arith.constant 0 : i32
        %dma_start3A_100 = arith.constant 0 : i32
        %dma_start3A_101 = tpu.memref_slice %arg2[%dma_start3A_99, %dma_start3A_100] : memref<10240x128xf32, #tpu.memory_space<hbm>> -> memref<10240x128xf32, #tpu.memory_space<hbm>>
        tpu.enqueue_indirect_dma source(%dma_start3A_101 : memref<10240x128xf32, #tpu.memory_space<hbm>>) target(%arg10 : memref<96x128xf32, #tpu.memory_space<vmem>>) offsets(%dma_start3A_98 : memref<96xi32, #tpu.memory_space<vmem>>) semaphore(%arg12 : memref<!tpu.dma_semaphore, #tpu.memory_space<semaphore_mem>>)
      } else {
      }
    }
    %scan3A_22 = arith.constant 54 : i32
    %dma_wait3A = arith.constant 0 : i32
    %dma_wait3A_23 = arith.constant 0 : i32
    %dma_wait3A_24 = tpu.memref_slice %arg8[%dma_wait3A, %dma_wait3A_23] : memref<108x96xi32, #tpu.memory_space<vmem>> -> memref<1x96xi32, #tpu.memory_space<vmem>>
    %dma_wait3A_25 = tpu.memref_squeeze %dma_wait3A_24 : memref<1x96xi32, #tpu.memory_space<vmem>> -> memref<96xi32, #tpu.memory_space<vmem>>
    %dma_wait3A_26 = arith.constant 0 : i32
    %dma_wait3A_27 = arith.constant 0 : i32
    %dma_wait3A_28 = tpu.memref_slice %arg15[%dma_wait3A_26, %dma_wait3A_27] : memref<10240x128xf32, #tpu.memory_space<vmem_shared>> -> memref<10240x128xf32, #tpu.memory_space<vmem_shared>>
    tpu.wait_indirect_dma semaphore(%arg13 : memref<!tpu.dma_semaphore, #tpu.memory_space<semaphore_mem>>) src(%arg9 : memref<96x128xf32, #tpu.memory_space<vmem>>) dst(%dma_wait3A_28 : memref<10240x128xf32, #tpu.memory_space<vmem_shared>>)
    %dma_wait3A_29 = arith.constant 0 : i32
    %dma_wait3A_30 = arith.constant 0 : i32
    %dma_wait3A_31 = tpu.memref_slice %arg8[%dma_wait3A_29, %dma_wait3A_30] : memref<108x96xi32, #tpu.memory_space<vmem>> -> memref<1x96xi32, #tpu.memory_space<vmem>>
    %dma_wait3A_32 = tpu.memref_squeeze %dma_wait3A_31 : memref<1x96xi32, #tpu.memory_space<vmem>> -> memref<96xi32, #tpu.memory_space<vmem>>
    %dma_wait3A_33 = arith.constant 0 : i32
    %dma_wait3A_34 = arith.constant 0 : i32
    %dma_wait3A_35 = tpu.memref_slice %arg15[%dma_wait3A_33, %dma_wait3A_34] : memref<10240x128xf32, #tpu.memory_space<vmem_shared>> -> memref<10240x128xf32, #tpu.memory_space<vmem_shared>>
    tpu.wait_indirect_dma semaphore(%arg14 : memref<!tpu.dma_semaphore, #tpu.memory_space<semaphore_mem>>) src(%arg10 : memref<96x128xf32, #tpu.memory_space<vmem>>) dst(%dma_wait3A_35 : memref<10240x128xf32, #tpu.memory_space<vmem_shared>>)
    %barrier3A_36 = arith.constant 0 : index
    tpu.barrier barrier_id(%barrier3A_36)
    %mul3A_37 = arith.constant 640 : i32
    %mul3A_38 = arith.muli %arg1, %mul3A_37 : i32
    %mul3A_39 = arith.constant 640 : i32
    %mul3A_40 = arith.muli %arg1, %mul3A_39 : i32
    "tpu.region"() ({
      %run_scoped3A = tpu.sem_alloc : memref<!tpu.dma_semaphore, #tpu.memory_space<semaphore_mem>>
      %dma_start3A_41 = arith.constant 0 : i32
      %dma_start3A_42 = tpu.memref_slice %arg6[%arg0, %mul3A_40, %dma_start3A_41] : memref<2x10240x128xf32, #tpu.memory_space<hbm>> -> memref<1x640x128xf32, #tpu.memory_space<hbm>>
      %dma_start3A_43 = tpu.memref_squeeze %dma_start3A_42 : memref<1x640x128xf32, #tpu.memory_space<hbm>> -> memref<640x128xf32, #tpu.memory_space<hbm>>
      %dma_start3A_44 = arith.constant 0 : i32
      %dma_start3A_45 = tpu.memref_slice %arg15[%mul3A_38, %dma_start3A_44] : memref<10240x128xf32, #tpu.memory_space<vmem_shared>> -> memref<640x128xf32, #tpu.memory_space<vmem_shared>>
      tpu.enqueue_dma source(%dma_start3A_45 : memref<640x128xf32, #tpu.memory_space<vmem_shared>>) target(%dma_start3A_43 : memref<640x128xf32, #tpu.memory_space<hbm>>) target_semaphore(%run_scoped3A : memref<!tpu.dma_semaphore, #tpu.memory_space<semaphore_mem>>)
      %dma_wait3A_46 = arith.constant 0 : i32
      %dma_wait3A_47 = tpu.memref_slice %arg6[%arg0, %mul3A_40, %dma_wait3A_46] : memref<2x10240x128xf32, #tpu.memory_space<hbm>> -> memref<1x640x128xf32, #tpu.memory_space<hbm>>
      %dma_wait3A_48 = tpu.memref_squeeze %dma_wait3A_47 : memref<1x640x128xf32, #tpu.memory_space<hbm>> -> memref<640x128xf32, #tpu.memory_space<hbm>>
      %dma_wait3A_49 = arith.constant 0 : i32
      %dma_wait3A_50 = tpu.memref_slice %arg15[%mul3A_38, %dma_wait3A_49] : memref<10240x128xf32, #tpu.memory_space<vmem_shared>> -> memref<640x128xf32, #tpu.memory_space<vmem_shared>>
      tpu.wait_dma2 semaphore(%run_scoped3A : memref<!tpu.dma_semaphore, #tpu.memory_space<semaphore_mem>>) src(%dma_wait3A_50 : memref<640x128xf32, #tpu.memory_space<vmem_shared>>) dst(%dma_wait3A_48 : memref<640x128xf32, #tpu.memory_space<hbm>>)
      tpu.yield
    }) : () -> ()
    return
  }
}

#map = affine_map<(d0, d1) -> (0, 0)>
#map1 = affine_map<(d0, d1) -> (0, 0, 0)>
module attributes {stable_mosaic.version = 14 : i64} {
  func.func @agg_kernel(%arg0: i32, %arg1: i32, %arg2: memref<10240x16xf32, #tpu.memory_space<hbm>>, %arg3: memref<32x80x128xi32, #tpu.memory_space<hbm>>, %arg4: memref<32x80x128xi32, #tpu.memory_space<hbm>>, %arg5: memref<10240x16xf32, #tpu.memory_space<hbm>>, %arg6: memref<2x10240x16xf32, #tpu.memory_space<hbm>>, %arg7: memref<80x128xi32, #tpu.memory_space<vmem>>, %arg8: memref<80x128xi32, #tpu.memory_space<vmem>>, %arg9: memref<128x16xf32, #tpu.memory_space<vmem>>, %arg10: memref<128x16xf32, #tpu.memory_space<vmem>>, %arg11: memref<128x16xf32, #tpu.memory_space<vmem>>, %arg12: memref<128x16xf32, #tpu.memory_space<vmem>>, %arg13: memref<!tpu.dma_semaphore, #tpu.memory_space<semaphore_mem>>, %arg14: memref<!tpu.dma_semaphore, #tpu.memory_space<semaphore_mem>>, %arg15: memref<!tpu.dma_semaphore, #tpu.memory_space<semaphore_mem>>, %arg16: memref<!tpu.dma_semaphore, #tpu.memory_space<semaphore_mem>>, %arg17: memref<!tpu.dma_semaphore, #tpu.memory_space<semaphore_mem>>, %arg18: memref<!tpu.dma_semaphore, #tpu.memory_space<semaphore_mem>>, %arg19: memref<!tpu.dma_semaphore, #tpu.memory_space<semaphore_mem>>, %arg20: memref<!tpu.dma_semaphore, #tpu.memory_space<semaphore_mem>>, %arg21: memref<10240x16xf32, #tpu.memory_space<vmem_shared>>) attributes {dimension_semantics = [#tpu.dimension_semantics<core_parallel>, #tpu.dimension_semantics<subcore_parallel>], iteration_bounds = array<i64: 2, 16>, scalar_prefetch = 0 : i64, scratch_operands = 15 : i64, tpu.core_type = #tpu.core_type<sc_vector_subcore>, window_params = [{transform_indices = #map}, {transform_indices = #map1}, {transform_indices = #map1}, {transform_indices = #map}, {transform_indices = #map1}]} {
    %mul3A = arith.constant 16 : i32
    %mul3A_0 = arith.muli %arg0, %mul3A : i32
    %add3A = arith.addi %mul3A_0, %arg1 : i32
    %mul3A_1 = arith.constant 640 : i32
    %mul3A_2 = arith.muli %arg1, %mul3A_1 : i32
    %mul3A_3 = arith.constant 640 : i32
    %mul3A_4 = arith.muli %arg1, %mul3A_3 : i32
    "tpu.region"() ({
      %run_scoped3A = tpu.sem_alloc : memref<!tpu.dma_semaphore, #tpu.memory_space<semaphore_mem>>
      %dma_start3A_69 = arith.constant 0 : i32
      %dma_start3A_70 = tpu.memref_slice %arg21[%mul3A_4, %dma_start3A_69] : memref<10240x16xf32, #tpu.memory_space<vmem_shared>> -> memref<640x16xf32, #tpu.memory_space<vmem_shared>>
      %dma_start3A_71 = arith.constant 0 : i32
      %dma_start3A_72 = tpu.memref_slice %arg5[%mul3A_2, %dma_start3A_71] : memref<10240x16xf32, #tpu.memory_space<hbm>> -> memref<640x16xf32, #tpu.memory_space<hbm>>
      tpu.enqueue_dma source(%dma_start3A_72 : memref<640x16xf32, #tpu.memory_space<hbm>>) target(%dma_start3A_70 : memref<640x16xf32, #tpu.memory_space<vmem_shared>>) target_semaphore(%run_scoped3A : memref<!tpu.dma_semaphore, #tpu.memory_space<semaphore_mem>>)
      %dma_wait3A_73 = arith.constant 0 : i32
      %dma_wait3A_74 = tpu.memref_slice %arg21[%mul3A_4, %dma_wait3A_73] : memref<10240x16xf32, #tpu.memory_space<vmem_shared>> -> memref<640x16xf32, #tpu.memory_space<vmem_shared>>
      %dma_wait3A_75 = arith.constant 0 : i32
      %dma_wait3A_76 = tpu.memref_slice %arg5[%mul3A_2, %dma_wait3A_75] : memref<10240x16xf32, #tpu.memory_space<hbm>> -> memref<640x16xf32, #tpu.memory_space<hbm>>
      tpu.wait_dma2 semaphore(%run_scoped3A : memref<!tpu.dma_semaphore, #tpu.memory_space<semaphore_mem>>) src(%dma_wait3A_76 : memref<640x16xf32, #tpu.memory_space<hbm>>) dst(%dma_wait3A_74 : memref<640x16xf32, #tpu.memory_space<vmem_shared>>)
      tpu.yield
    }) : () -> ()
    "tpu.region"() ({
      %run_scoped3A = tpu.sem_alloc : memref<!tpu.dma_semaphore, #tpu.memory_space<semaphore_mem>>
      %dma_start3A_69 = arith.constant 0 : i32
      %dma_start3A_70 = arith.constant 0 : i32
      %dma_start3A_71 = tpu.memref_slice %arg3[%add3A, %dma_start3A_69, %dma_start3A_70] : memref<32x80x128xi32, #tpu.memory_space<hbm>> -> memref<1x80x128xi32, #tpu.memory_space<hbm>>
      %dma_start3A_72 = tpu.memref_squeeze %dma_start3A_71 : memref<1x80x128xi32, #tpu.memory_space<hbm>> -> memref<80x128xi32, #tpu.memory_space<hbm>>
      %dma_start3A_73 = arith.constant 0 : i32
      %dma_start3A_74 = arith.constant 0 : i32
      %dma_start3A_75 = tpu.memref_slice %arg3[%add3A, %dma_start3A_73, %dma_start3A_74] : memref<32x80x128xi32, #tpu.memory_space<hbm>> -> memref<1x80x128xi32, #tpu.memory_space<hbm>>
      %dma_start3A_76 = tpu.memref_squeeze %dma_start3A_75 : memref<1x80x128xi32, #tpu.memory_space<hbm>> -> memref<80x128xi32, #tpu.memory_space<hbm>>
      tpu.enqueue_dma source(%dma_start3A_76 : memref<80x128xi32, #tpu.memory_space<hbm>>) target(%arg7 : memref<80x128xi32, #tpu.memory_space<vmem>>) target_semaphore(%run_scoped3A : memref<!tpu.dma_semaphore, #tpu.memory_space<semaphore_mem>>)
      %dma_wait3A_77 = arith.constant 0 : i32
      %dma_wait3A_78 = arith.constant 0 : i32
      %dma_wait3A_79 = tpu.memref_slice %arg3[%add3A, %dma_wait3A_77, %dma_wait3A_78] : memref<32x80x128xi32, #tpu.memory_space<hbm>> -> memref<1x80x128xi32, #tpu.memory_space<hbm>>
      %dma_wait3A_80 = tpu.memref_squeeze %dma_wait3A_79 : memref<1x80x128xi32, #tpu.memory_space<hbm>> -> memref<80x128xi32, #tpu.memory_space<hbm>>
      %dma_wait3A_81 = arith.constant 0 : i32
      %dma_wait3A_82 = arith.constant 0 : i32
      %dma_wait3A_83 = tpu.memref_slice %arg3[%add3A, %dma_wait3A_81, %dma_wait3A_82] : memref<32x80x128xi32, #tpu.memory_space<hbm>> -> memref<1x80x128xi32, #tpu.memory_space<hbm>>
      %dma_wait3A_84 = tpu.memref_squeeze %dma_wait3A_83 : memref<1x80x128xi32, #tpu.memory_space<hbm>> -> memref<80x128xi32, #tpu.memory_space<hbm>>
      tpu.wait_dma2 semaphore(%run_scoped3A : memref<!tpu.dma_semaphore, #tpu.memory_space<semaphore_mem>>) src(%dma_wait3A_84 : memref<80x128xi32, #tpu.memory_space<hbm>>) dst(%arg7 : memref<80x128xi32, #tpu.memory_space<vmem>>)
      tpu.yield
    }) : () -> ()
    "tpu.region"() ({
      %run_scoped3A = tpu.sem_alloc : memref<!tpu.dma_semaphore, #tpu.memory_space<semaphore_mem>>
      %dma_start3A_69 = arith.constant 0 : i32
      %dma_start3A_70 = arith.constant 0 : i32
      %dma_start3A_71 = tpu.memref_slice %arg4[%add3A, %dma_start3A_69, %dma_start3A_70] : memref<32x80x128xi32, #tpu.memory_space<hbm>> -> memref<1x80x128xi32, #tpu.memory_space<hbm>>
      %dma_start3A_72 = tpu.memref_squeeze %dma_start3A_71 : memref<1x80x128xi32, #tpu.memory_space<hbm>> -> memref<80x128xi32, #tpu.memory_space<hbm>>
      %dma_start3A_73 = arith.constant 0 : i32
      %dma_start3A_74 = arith.constant 0 : i32
      %dma_start3A_75 = tpu.memref_slice %arg4[%add3A, %dma_start3A_73, %dma_start3A_74] : memref<32x80x128xi32, #tpu.memory_space<hbm>> -> memref<1x80x128xi32, #tpu.memory_space<hbm>>
      %dma_start3A_76 = tpu.memref_squeeze %dma_start3A_75 : memref<1x80x128xi32, #tpu.memory_space<hbm>> -> memref<80x128xi32, #tpu.memory_space<hbm>>
      tpu.enqueue_dma source(%dma_start3A_76 : memref<80x128xi32, #tpu.memory_space<hbm>>) target(%arg8 : memref<80x128xi32, #tpu.memory_space<vmem>>) target_semaphore(%run_scoped3A : memref<!tpu.dma_semaphore, #tpu.memory_space<semaphore_mem>>)
      %dma_wait3A_77 = arith.constant 0 : i32
      %dma_wait3A_78 = arith.constant 0 : i32
      %dma_wait3A_79 = tpu.memref_slice %arg4[%add3A, %dma_wait3A_77, %dma_wait3A_78] : memref<32x80x128xi32, #tpu.memory_space<hbm>> -> memref<1x80x128xi32, #tpu.memory_space<hbm>>
      %dma_wait3A_80 = tpu.memref_squeeze %dma_wait3A_79 : memref<1x80x128xi32, #tpu.memory_space<hbm>> -> memref<80x128xi32, #tpu.memory_space<hbm>>
      %dma_wait3A_81 = arith.constant 0 : i32
      %dma_wait3A_82 = arith.constant 0 : i32
      %dma_wait3A_83 = tpu.memref_slice %arg4[%add3A, %dma_wait3A_81, %dma_wait3A_82] : memref<32x80x128xi32, #tpu.memory_space<hbm>> -> memref<1x80x128xi32, #tpu.memory_space<hbm>>
      %dma_wait3A_84 = tpu.memref_squeeze %dma_wait3A_83 : memref<1x80x128xi32, #tpu.memory_space<hbm>> -> memref<80x128xi32, #tpu.memory_space<hbm>>
      tpu.wait_dma2 semaphore(%run_scoped3A : memref<!tpu.dma_semaphore, #tpu.memory_space<semaphore_mem>>) src(%dma_wait3A_84 : memref<80x128xi32, #tpu.memory_space<hbm>>) dst(%arg8 : memref<80x128xi32, #tpu.memory_space<vmem>>)
      tpu.yield
    }) : () -> ()
    %barrier3A = arith.constant 0 : index
    tpu.barrier barrier_id(%barrier3A)
    %dma_start3A = arith.constant 0 : i32
    %dma_start3A_5 = arith.constant 0 : i32
    %dma_start3A_6 = tpu.memref_slice %arg7[%dma_start3A, %dma_start3A_5] : memref<80x128xi32, #tpu.memory_space<vmem>> -> memref<1x128xi32, #tpu.memory_space<vmem>>
    %dma_start3A_7 = tpu.memref_squeeze %dma_start3A_6 : memref<1x128xi32, #tpu.memory_space<vmem>> -> memref<128xi32, #tpu.memory_space<vmem>>
    %dma_start3A_8 = arith.constant 0 : i32
    %dma_start3A_9 = arith.constant 0 : i32
    %dma_start3A_10 = tpu.memref_slice %arg2[%dma_start3A_8, %dma_start3A_9] : memref<10240x16xf32, #tpu.memory_space<hbm>> -> memref<10240x16xf32, #tpu.memory_space<hbm>>
    tpu.enqueue_indirect_dma source(%dma_start3A_10 : memref<10240x16xf32, #tpu.memory_space<hbm>>) target(%arg9 : memref<128x16xf32, #tpu.memory_space<vmem>>) offsets(%dma_start3A_7 : memref<128xi32, #tpu.memory_space<vmem>>) semaphore(%arg13 : memref<!tpu.dma_semaphore, #tpu.memory_space<semaphore_mem>>)
    %dma_start3A_11 = arith.constant 1 : i32
    %dma_start3A_12 = arith.constant 0 : i32
    %dma_start3A_13 = tpu.memref_slice %arg7[%dma_start3A_11, %dma_start3A_12] : memref<80x128xi32, #tpu.memory_space<vmem>> -> memref<1x128xi32, #tpu.memory_space<vmem>>
    %dma_start3A_14 = tpu.memref_squeeze %dma_start3A_13 : memref<1x128xi32, #tpu.memory_space<vmem>> -> memref<128xi32, #tpu.memory_space<vmem>>
    %dma_start3A_15 = arith.constant 0 : i32
    %dma_start3A_16 = arith.constant 0 : i32
    %dma_start3A_17 = tpu.memref_slice %arg2[%dma_start3A_15, %dma_start3A_16] : memref<10240x16xf32, #tpu.memory_space<hbm>> -> memref<10240x16xf32, #tpu.memory_space<hbm>>
    tpu.enqueue_indirect_dma source(%dma_start3A_17 : memref<10240x16xf32, #tpu.memory_space<hbm>>) target(%arg10 : memref<128x16xf32, #tpu.memory_space<vmem>>) offsets(%dma_start3A_14 : memref<128xi32, #tpu.memory_space<vmem>>) semaphore(%arg14 : memref<!tpu.dma_semaphore, #tpu.memory_space<semaphore_mem>>)
    %dma_start3A_18 = arith.constant 2 : i32
    %dma_start3A_19 = arith.constant 0 : i32
    %dma_start3A_20 = tpu.memref_slice %arg7[%dma_start3A_18, %dma_start3A_19] : memref<80x128xi32, #tpu.memory_space<vmem>> -> memref<1x128xi32, #tpu.memory_space<vmem>>
    %dma_start3A_21 = tpu.memref_squeeze %dma_start3A_20 : memref<1x128xi32, #tpu.memory_space<vmem>> -> memref<128xi32, #tpu.memory_space<vmem>>
    %dma_start3A_22 = arith.constant 0 : i32
    %dma_start3A_23 = arith.constant 0 : i32
    %dma_start3A_24 = tpu.memref_slice %arg2[%dma_start3A_22, %dma_start3A_23] : memref<10240x16xf32, #tpu.memory_space<hbm>> -> memref<10240x16xf32, #tpu.memory_space<hbm>>
    tpu.enqueue_indirect_dma source(%dma_start3A_24 : memref<10240x16xf32, #tpu.memory_space<hbm>>) target(%arg11 : memref<128x16xf32, #tpu.memory_space<vmem>>) offsets(%dma_start3A_21 : memref<128xi32, #tpu.memory_space<vmem>>) semaphore(%arg15 : memref<!tpu.dma_semaphore, #tpu.memory_space<semaphore_mem>>)
    %dma_start3A_25 = arith.constant 3 : i32
    %dma_start3A_26 = arith.constant 0 : i32
    %dma_start3A_27 = tpu.memref_slice %arg7[%dma_start3A_25, %dma_start3A_26] : memref<80x128xi32, #tpu.memory_space<vmem>> -> memref<1x128xi32, #tpu.memory_space<vmem>>
    %dma_start3A_28 = tpu.memref_squeeze %dma_start3A_27 : memref<1x128xi32, #tpu.memory_space<vmem>> -> memref<128xi32, #tpu.memory_space<vmem>>
    %dma_start3A_29 = arith.constant 0 : i32
    %dma_start3A_30 = arith.constant 0 : i32
    %dma_start3A_31 = tpu.memref_slice %arg2[%dma_start3A_29, %dma_start3A_30] : memref<10240x16xf32, #tpu.memory_space<hbm>> -> memref<10240x16xf32, #tpu.memory_space<hbm>>
    tpu.enqueue_indirect_dma source(%dma_start3A_31 : memref<10240x16xf32, #tpu.memory_space<hbm>>) target(%arg12 : memref<128x16xf32, #tpu.memory_space<vmem>>) offsets(%dma_start3A_28 : memref<128xi32, #tpu.memory_space<vmem>>) semaphore(%arg16 : memref<!tpu.dma_semaphore, #tpu.memory_space<semaphore_mem>>)
    %scan3A = arith.constant 0 : i32
    %scan3A_32 = arith.constant 0 : i32
    %scan3A_33 = arith.constant 20 : i32
    %scan3A_34 = arith.addi %scan3A_32, %scan3A_33 : i32
    %scan3A_35 = arith.constant 1 : i32
    scf.for %scan3A_69 = %scan3A_32 to %scan3A_34 step %scan3A_35  : i32 {
      %mul3A_70 = arith.constant 4 : i32
      %mul3A_71 = arith.muli %scan3A_69, %mul3A_70 : i32
      %dma_wait3A_72 = arith.constant 0 : i32
      %dma_wait3A_73 = arith.constant 0 : i32
      %dma_wait3A_74 = tpu.memref_slice %arg7[%dma_wait3A_72, %dma_wait3A_73] : memref<80x128xi32, #tpu.memory_space<vmem>> -> memref<1x128xi32, #tpu.memory_space<vmem>>
      %dma_wait3A_75 = tpu.memref_squeeze %dma_wait3A_74 : memref<1x128xi32, #tpu.memory_space<vmem>> -> memref<128xi32, #tpu.memory_space<vmem>>
      %dma_wait3A_76 = arith.constant 0 : i32
      %dma_wait3A_77 = arith.constant 0 : i32
      %dma_wait3A_78 = tpu.memref_slice %arg2[%dma_wait3A_76, %dma_wait3A_77] : memref<10240x16xf32, #tpu.memory_space<hbm>> -> memref<10240x16xf32, #tpu.memory_space<hbm>>
      tpu.wait_indirect_dma semaphore(%arg13 : memref<!tpu.dma_semaphore, #tpu.memory_space<semaphore_mem>>) src(%dma_wait3A_78 : memref<10240x16xf32, #tpu.memory_space<hbm>>) dst(%arg9 : memref<128x16xf32, #tpu.memory_space<vmem>>)
      %add3A_79 = arith.constant 0 : i32
      %add3A_80 = arith.addi %mul3A_71, %add3A_79 : i32
      %dma_start3A_81 = arith.constant 0 : i32
      %dma_start3A_82 = tpu.memref_slice %arg8[%add3A_80, %dma_start3A_81] : memref<80x128xi32, #tpu.memory_space<vmem>> -> memref<1x128xi32, #tpu.memory_space<vmem>>
      %dma_start3A_83 = tpu.memref_squeeze %dma_start3A_82 : memref<1x128xi32, #tpu.memory_space<vmem>> -> memref<128xi32, #tpu.memory_space<vmem>>
      %dma_start3A_84 = arith.constant 0 : i32
      %dma_start3A_85 = arith.constant 0 : i32
      %dma_start3A_86 = tpu.memref_slice %arg21[%dma_start3A_84, %dma_start3A_85] : memref<10240x16xf32, #tpu.memory_space<vmem_shared>> -> memref<10240x16xf32, #tpu.memory_space<vmem_shared>>
      tpu.enqueue_indirect_dma source(%arg9 : memref<128x16xf32, #tpu.memory_space<vmem>>) target(%dma_start3A_86 : memref<10240x16xf32, #tpu.memory_space<vmem_shared>>) offsets(%dma_start3A_83 : memref<128xi32, #tpu.memory_space<vmem>>) semaphore(%arg17 : memref<!tpu.dma_semaphore, #tpu.memory_space<semaphore_mem>>) {add = true}
      %dma_wait3A_87 = arith.constant 0 : i32
      %dma_wait3A_88 = arith.constant 0 : i32
      %dma_wait3A_89 = tpu.memref_slice %arg7[%dma_wait3A_87, %dma_wait3A_88] : memref<80x128xi32, #tpu.memory_space<vmem>> -> memref<1x128xi32, #tpu.memory_space<vmem>>
      %dma_wait3A_90 = tpu.memref_squeeze %dma_wait3A_89 : memref<1x128xi32, #tpu.memory_space<vmem>> -> memref<128xi32, #tpu.memory_space<vmem>>
      %dma_wait3A_91 = arith.constant 0 : i32
      %dma_wait3A_92 = arith.constant 0 : i32
      %dma_wait3A_93 = tpu.memref_slice %arg2[%dma_wait3A_91, %dma_wait3A_92] : memref<10240x16xf32, #tpu.memory_space<hbm>> -> memref<10240x16xf32, #tpu.memory_space<hbm>>
      tpu.wait_indirect_dma semaphore(%arg14 : memref<!tpu.dma_semaphore, #tpu.memory_space<semaphore_mem>>) src(%dma_wait3A_93 : memref<10240x16xf32, #tpu.memory_space<hbm>>) dst(%arg10 : memref<128x16xf32, #tpu.memory_space<vmem>>)
      %add3A_94 = arith.constant 1 : i32
      %add3A_95 = arith.addi %mul3A_71, %add3A_94 : i32
      %dma_start3A_96 = arith.constant 0 : i32
      %dma_start3A_97 = tpu.memref_slice %arg8[%add3A_95, %dma_start3A_96] : memref<80x128xi32, #tpu.memory_space<vmem>> -> memref<1x128xi32, #tpu.memory_space<vmem>>
      %dma_start3A_98 = tpu.memref_squeeze %dma_start3A_97 : memref<1x128xi32, #tpu.memory_space<vmem>> -> memref<128xi32, #tpu.memory_space<vmem>>
      %dma_start3A_99 = arith.constant 0 : i32
      %dma_start3A_100 = arith.constant 0 : i32
      %dma_start3A_101 = tpu.memref_slice %arg21[%dma_start3A_99, %dma_start3A_100] : memref<10240x16xf32, #tpu.memory_space<vmem_shared>> -> memref<10240x16xf32, #tpu.memory_space<vmem_shared>>
      tpu.enqueue_indirect_dma source(%arg10 : memref<128x16xf32, #tpu.memory_space<vmem>>) target(%dma_start3A_101 : memref<10240x16xf32, #tpu.memory_space<vmem_shared>>) offsets(%dma_start3A_98 : memref<128xi32, #tpu.memory_space<vmem>>) semaphore(%arg18 : memref<!tpu.dma_semaphore, #tpu.memory_space<semaphore_mem>>) {add = true}
      %dma_wait3A_102 = arith.constant 0 : i32
      %dma_wait3A_103 = arith.constant 0 : i32
      %dma_wait3A_104 = tpu.memref_slice %arg7[%dma_wait3A_102, %dma_wait3A_103] : memref<80x128xi32, #tpu.memory_space<vmem>> -> memref<1x128xi32, #tpu.memory_space<vmem>>
      %dma_wait3A_105 = tpu.memref_squeeze %dma_wait3A_104 : memref<1x128xi32, #tpu.memory_space<vmem>> -> memref<128xi32, #tpu.memory_space<vmem>>
      %dma_wait3A_106 = arith.constant 0 : i32
      %dma_wait3A_107 = arith.constant 0 : i32
      %dma_wait3A_108 = tpu.memref_slice %arg2[%dma_wait3A_106, %dma_wait3A_107] : memref<10240x16xf32, #tpu.memory_space<hbm>> -> memref<10240x16xf32, #tpu.memory_space<hbm>>
      tpu.wait_indirect_dma semaphore(%arg15 : memref<!tpu.dma_semaphore, #tpu.memory_space<semaphore_mem>>) src(%dma_wait3A_108 : memref<10240x16xf32, #tpu.memory_space<hbm>>) dst(%arg11 : memref<128x16xf32, #tpu.memory_space<vmem>>)
      %add3A_109 = arith.constant 2 : i32
      %add3A_110 = arith.addi %mul3A_71, %add3A_109 : i32
      %dma_start3A_111 = arith.constant 0 : i32
      %dma_start3A_112 = tpu.memref_slice %arg8[%add3A_110, %dma_start3A_111] : memref<80x128xi32, #tpu.memory_space<vmem>> -> memref<1x128xi32, #tpu.memory_space<vmem>>
      %dma_start3A_113 = tpu.memref_squeeze %dma_start3A_112 : memref<1x128xi32, #tpu.memory_space<vmem>> -> memref<128xi32, #tpu.memory_space<vmem>>
      %dma_start3A_114 = arith.constant 0 : i32
      %dma_start3A_115 = arith.constant 0 : i32
      %dma_start3A_116 = tpu.memref_slice %arg21[%dma_start3A_114, %dma_start3A_115] : memref<10240x16xf32, #tpu.memory_space<vmem_shared>> -> memref<10240x16xf32, #tpu.memory_space<vmem_shared>>
      tpu.enqueue_indirect_dma source(%arg11 : memref<128x16xf32, #tpu.memory_space<vmem>>) target(%dma_start3A_116 : memref<10240x16xf32, #tpu.memory_space<vmem_shared>>) offsets(%dma_start3A_113 : memref<128xi32, #tpu.memory_space<vmem>>) semaphore(%arg19 : memref<!tpu.dma_semaphore, #tpu.memory_space<semaphore_mem>>) {add = true}
      %dma_wait3A_117 = arith.constant 0 : i32
      %dma_wait3A_118 = arith.constant 0 : i32
      %dma_wait3A_119 = tpu.memref_slice %arg7[%dma_wait3A_117, %dma_wait3A_118] : memref<80x128xi32, #tpu.memory_space<vmem>> -> memref<1x128xi32, #tpu.memory_space<vmem>>
      %dma_wait3A_120 = tpu.memref_squeeze %dma_wait3A_119 : memref<1x128xi32, #tpu.memory_space<vmem>> -> memref<128xi32, #tpu.memory_space<vmem>>
      %dma_wait3A_121 = arith.constant 0 : i32
      %dma_wait3A_122 = arith.constant 0 : i32
      %dma_wait3A_123 = tpu.memref_slice %arg2[%dma_wait3A_121, %dma_wait3A_122] : memref<10240x16xf32, #tpu.memory_space<hbm>> -> memref<10240x16xf32, #tpu.memory_space<hbm>>
      tpu.wait_indirect_dma semaphore(%arg16 : memref<!tpu.dma_semaphore, #tpu.memory_space<semaphore_mem>>) src(%dma_wait3A_123 : memref<10240x16xf32, #tpu.memory_space<hbm>>) dst(%arg12 : memref<128x16xf32, #tpu.memory_space<vmem>>)
      %add3A_124 = arith.constant 3 : i32
      %add3A_125 = arith.addi %mul3A_71, %add3A_124 : i32
      %dma_start3A_126 = arith.constant 0 : i32
      %dma_start3A_127 = tpu.memref_slice %arg8[%add3A_125, %dma_start3A_126] : memref<80x128xi32, #tpu.memory_space<vmem>> -> memref<1x128xi32, #tpu.memory_space<vmem>>
      %dma_start3A_128 = tpu.memref_squeeze %dma_start3A_127 : memref<1x128xi32, #tpu.memory_space<vmem>> -> memref<128xi32, #tpu.memory_space<vmem>>
      %dma_start3A_129 = arith.constant 0 : i32
      %dma_start3A_130 = arith.constant 0 : i32
      %dma_start3A_131 = tpu.memref_slice %arg21[%dma_start3A_129, %dma_start3A_130] : memref<10240x16xf32, #tpu.memory_space<vmem_shared>> -> memref<10240x16xf32, #tpu.memory_space<vmem_shared>>
      tpu.enqueue_indirect_dma source(%arg12 : memref<128x16xf32, #tpu.memory_space<vmem>>) target(%dma_start3A_131 : memref<10240x16xf32, #tpu.memory_space<vmem_shared>>) offsets(%dma_start3A_128 : memref<128xi32, #tpu.memory_space<vmem>>) semaphore(%arg20 : memref<!tpu.dma_semaphore, #tpu.memory_space<semaphore_mem>>) {add = true}
      %add3A_132 = arith.constant 0 : i32
      %add3A_133 = arith.addi %mul3A_71, %add3A_132 : i32
      %add3A_134 = arith.constant 4 : i32
      %add3A_135 = arith.addi %add3A_133, %add3A_134 : i32
      %lt3A = arith.constant 80 : i32
      %lt3A_136 = arith.cmpi slt, %add3A_135, %lt3A : i32
      %convert_element_type3A = arith.extui %lt3A_136 : i1 to i32
      %cond3A = arith.constant 0 : i32
      %cond3A_137 = arith.cmpi ne, %convert_element_type3A, %cond3A : i32
      scf.if %cond3A_137 {
        %dma_wait3A_165 = arith.constant 0 : i32
        %dma_wait3A_166 = arith.constant 0 : i32
        %dma_wait3A_167 = tpu.memref_slice %arg8[%dma_wait3A_165, %dma_wait3A_166] : memref<80x128xi32, #tpu.memory_space<vmem>> -> memref<1x128xi32, #tpu.memory_space<vmem>>
        %dma_wait3A_168 = tpu.memref_squeeze %dma_wait3A_167 : memref<1x128xi32, #tpu.memory_space<vmem>> -> memref<128xi32, #tpu.memory_space<vmem>>
        %dma_wait3A_169 = arith.constant 0 : i32
        %dma_wait3A_170 = arith.constant 0 : i32
        %dma_wait3A_171 = tpu.memref_slice %arg21[%dma_wait3A_169, %dma_wait3A_170] : memref<10240x16xf32, #tpu.memory_space<vmem_shared>> -> memref<10240x16xf32, #tpu.memory_space<vmem_shared>>
        tpu.wait_indirect_dma semaphore(%arg17 : memref<!tpu.dma_semaphore, #tpu.memory_space<semaphore_mem>>) src(%arg9 : memref<128x16xf32, #tpu.memory_space<vmem>>) dst(%dma_wait3A_171 : memref<10240x16xf32, #tpu.memory_space<vmem_shared>>)
        %dma_start3A_172 = arith.constant 0 : i32
        %dma_start3A_173 = tpu.memref_slice %arg7[%add3A_135, %dma_start3A_172] : memref<80x128xi32, #tpu.memory_space<vmem>> -> memref<1x128xi32, #tpu.memory_space<vmem>>
        %dma_start3A_174 = tpu.memref_squeeze %dma_start3A_173 : memref<1x128xi32, #tpu.memory_space<vmem>> -> memref<128xi32, #tpu.memory_space<vmem>>
        %dma_start3A_175 = arith.constant 0 : i32
        %dma_start3A_176 = arith.constant 0 : i32
        %dma_start3A_177 = tpu.memref_slice %arg2[%dma_start3A_175, %dma_start3A_176] : memref<10240x16xf32, #tpu.memory_space<hbm>> -> memref<10240x16xf32, #tpu.memory_space<hbm>>
        tpu.enqueue_indirect_dma source(%dma_start3A_177 : memref<10240x16xf32, #tpu.memory_space<hbm>>) target(%arg9 : memref<128x16xf32, #tpu.memory_space<vmem>>) offsets(%dma_start3A_174 : memref<128xi32, #tpu.memory_space<vmem>>) semaphore(%arg13 : memref<!tpu.dma_semaphore, #tpu.memory_space<semaphore_mem>>)
      } else {
      }
      %add3A_138 = arith.constant 1 : i32
      %add3A_139 = arith.addi %mul3A_71, %add3A_138 : i32
      %add3A_140 = arith.constant 4 : i32
      %add3A_141 = arith.addi %add3A_139, %add3A_140 : i32
      %lt3A_142 = arith.constant 80 : i32
      %lt3A_143 = arith.cmpi slt, %add3A_141, %lt3A_142 : i32
      %convert_element_type3A_144 = arith.extui %lt3A_143 : i1 to i32
      %cond3A_145 = arith.constant 0 : i32
      %cond3A_146 = arith.cmpi ne, %convert_element_type3A_144, %cond3A_145 : i32
      scf.if %cond3A_146 {
        %dma_wait3A_165 = arith.constant 0 : i32
        %dma_wait3A_166 = arith.constant 0 : i32
        %dma_wait3A_167 = tpu.memref_slice %arg8[%dma_wait3A_165, %dma_wait3A_166] : memref<80x128xi32, #tpu.memory_space<vmem>> -> memref<1x128xi32, #tpu.memory_space<vmem>>
        %dma_wait3A_168 = tpu.memref_squeeze %dma_wait3A_167 : memref<1x128xi32, #tpu.memory_space<vmem>> -> memref<128xi32, #tpu.memory_space<vmem>>
        %dma_wait3A_169 = arith.constant 0 : i32
        %dma_wait3A_170 = arith.constant 0 : i32
        %dma_wait3A_171 = tpu.memref_slice %arg21[%dma_wait3A_169, %dma_wait3A_170] : memref<10240x16xf32, #tpu.memory_space<vmem_shared>> -> memref<10240x16xf32, #tpu.memory_space<vmem_shared>>
        tpu.wait_indirect_dma semaphore(%arg18 : memref<!tpu.dma_semaphore, #tpu.memory_space<semaphore_mem>>) src(%arg10 : memref<128x16xf32, #tpu.memory_space<vmem>>) dst(%dma_wait3A_171 : memref<10240x16xf32, #tpu.memory_space<vmem_shared>>)
        %dma_start3A_172 = arith.constant 0 : i32
        %dma_start3A_173 = tpu.memref_slice %arg7[%add3A_141, %dma_start3A_172] : memref<80x128xi32, #tpu.memory_space<vmem>> -> memref<1x128xi32, #tpu.memory_space<vmem>>
        %dma_start3A_174 = tpu.memref_squeeze %dma_start3A_173 : memref<1x128xi32, #tpu.memory_space<vmem>> -> memref<128xi32, #tpu.memory_space<vmem>>
        %dma_start3A_175 = arith.constant 0 : i32
        %dma_start3A_176 = arith.constant 0 : i32
        %dma_start3A_177 = tpu.memref_slice %arg2[%dma_start3A_175, %dma_start3A_176] : memref<10240x16xf32, #tpu.memory_space<hbm>> -> memref<10240x16xf32, #tpu.memory_space<hbm>>
        tpu.enqueue_indirect_dma source(%dma_start3A_177 : memref<10240x16xf32, #tpu.memory_space<hbm>>) target(%arg10 : memref<128x16xf32, #tpu.memory_space<vmem>>) offsets(%dma_start3A_174 : memref<128xi32, #tpu.memory_space<vmem>>) semaphore(%arg14 : memref<!tpu.dma_semaphore, #tpu.memory_space<semaphore_mem>>)
      } else {
      }
      %add3A_147 = arith.constant 2 : i32
      %add3A_148 = arith.addi %mul3A_71, %add3A_147 : i32
      %add3A_149 = arith.constant 4 : i32
      %add3A_150 = arith.addi %add3A_148, %add3A_149 : i32
      %lt3A_151 = arith.constant 80 : i32
      %lt3A_152 = arith.cmpi slt, %add3A_150, %lt3A_151 : i32
      %convert_element_type3A_153 = arith.extui %lt3A_152 : i1 to i32
      %cond3A_154 = arith.constant 0 : i32
      %cond3A_155 = arith.cmpi ne, %convert_element_type3A_153, %cond3A_154 : i32
      scf.if %cond3A_155 {
        %dma_wait3A_165 = arith.constant 0 : i32
        %dma_wait3A_166 = arith.constant 0 : i32
        %dma_wait3A_167 = tpu.memref_slice %arg8[%dma_wait3A_165, %dma_wait3A_166] : memref<80x128xi32, #tpu.memory_space<vmem>> -> memref<1x128xi32, #tpu.memory_space<vmem>>
        %dma_wait3A_168 = tpu.memref_squeeze %dma_wait3A_167 : memref<1x128xi32, #tpu.memory_space<vmem>> -> memref<128xi32, #tpu.memory_space<vmem>>
        %dma_wait3A_169 = arith.constant 0 : i32
        %dma_wait3A_170 = arith.constant 0 : i32
        %dma_wait3A_171 = tpu.memref_slice %arg21[%dma_wait3A_169, %dma_wait3A_170] : memref<10240x16xf32, #tpu.memory_space<vmem_shared>> -> memref<10240x16xf32, #tpu.memory_space<vmem_shared>>
        tpu.wait_indirect_dma semaphore(%arg19 : memref<!tpu.dma_semaphore, #tpu.memory_space<semaphore_mem>>) src(%arg11 : memref<128x16xf32, #tpu.memory_space<vmem>>) dst(%dma_wait3A_171 : memref<10240x16xf32, #tpu.memory_space<vmem_shared>>)
        %dma_start3A_172 = arith.constant 0 : i32
        %dma_start3A_173 = tpu.memref_slice %arg7[%add3A_150, %dma_start3A_172] : memref<80x128xi32, #tpu.memory_space<vmem>> -> memref<1x128xi32, #tpu.memory_space<vmem>>
        %dma_start3A_174 = tpu.memref_squeeze %dma_start3A_173 : memref<1x128xi32, #tpu.memory_space<vmem>> -> memref<128xi32, #tpu.memory_space<vmem>>
        %dma_start3A_175 = arith.constant 0 : i32
        %dma_start3A_176 = arith.constant 0 : i32
        %dma_start3A_177 = tpu.memref_slice %arg2[%dma_start3A_175, %dma_start3A_176] : memref<10240x16xf32, #tpu.memory_space<hbm>> -> memref<10240x16xf32, #tpu.memory_space<hbm>>
        tpu.enqueue_indirect_dma source(%dma_start3A_177 : memref<10240x16xf32, #tpu.memory_space<hbm>>) target(%arg11 : memref<128x16xf32, #tpu.memory_space<vmem>>) offsets(%dma_start3A_174 : memref<128xi32, #tpu.memory_space<vmem>>) semaphore(%arg15 : memref<!tpu.dma_semaphore, #tpu.memory_space<semaphore_mem>>)
      } else {
      }
      %add3A_156 = arith.constant 3 : i32
      %add3A_157 = arith.addi %mul3A_71, %add3A_156 : i32
      %add3A_158 = arith.constant 4 : i32
      %add3A_159 = arith.addi %add3A_157, %add3A_158 : i32
      %lt3A_160 = arith.constant 80 : i32
      %lt3A_161 = arith.cmpi slt, %add3A_159, %lt3A_160 : i32
      %convert_element_type3A_162 = arith.extui %lt3A_161 : i1 to i32
      %cond3A_163 = arith.constant 0 : i32
      %cond3A_164 = arith.cmpi ne, %convert_element_type3A_162, %cond3A_163 : i32
      scf.if %cond3A_164 {
        %dma_wait3A_165 = arith.constant 0 : i32
        %dma_wait3A_166 = arith.constant 0 : i32
        %dma_wait3A_167 = tpu.memref_slice %arg8[%dma_wait3A_165, %dma_wait3A_166] : memref<80x128xi32, #tpu.memory_space<vmem>> -> memref<1x128xi32, #tpu.memory_space<vmem>>
        %dma_wait3A_168 = tpu.memref_squeeze %dma_wait3A_167 : memref<1x128xi32, #tpu.memory_space<vmem>> -> memref<128xi32, #tpu.memory_space<vmem>>
        %dma_wait3A_169 = arith.constant 0 : i32
        %dma_wait3A_170 = arith.constant 0 : i32
        %dma_wait3A_171 = tpu.memref_slice %arg21[%dma_wait3A_169, %dma_wait3A_170] : memref<10240x16xf32, #tpu.memory_space<vmem_shared>> -> memref<10240x16xf32, #tpu.memory_space<vmem_shared>>
        tpu.wait_indirect_dma semaphore(%arg20 : memref<!tpu.dma_semaphore, #tpu.memory_space<semaphore_mem>>) src(%arg12 : memref<128x16xf32, #tpu.memory_space<vmem>>) dst(%dma_wait3A_171 : memref<10240x16xf32, #tpu.memory_space<vmem_shared>>)
        %dma_start3A_172 = arith.constant 0 : i32
        %dma_start3A_173 = tpu.memref_slice %arg7[%add3A_159, %dma_start3A_172] : memref<80x128xi32, #tpu.memory_space<vmem>> -> memref<1x128xi32, #tpu.memory_space<vmem>>
        %dma_start3A_174 = tpu.memref_squeeze %dma_start3A_173 : memref<1x128xi32, #tpu.memory_space<vmem>> -> memref<128xi32, #tpu.memory_space<vmem>>
        %dma_start3A_175 = arith.constant 0 : i32
        %dma_start3A_176 = arith.constant 0 : i32
        %dma_start3A_177 = tpu.memref_slice %arg2[%dma_start3A_175, %dma_start3A_176] : memref<10240x16xf32, #tpu.memory_space<hbm>> -> memref<10240x16xf32, #tpu.memory_space<hbm>>
        tpu.enqueue_indirect_dma source(%dma_start3A_177 : memref<10240x16xf32, #tpu.memory_space<hbm>>) target(%arg12 : memref<128x16xf32, #tpu.memory_space<vmem>>) offsets(%dma_start3A_174 : memref<128xi32, #tpu.memory_space<vmem>>) semaphore(%arg16 : memref<!tpu.dma_semaphore, #tpu.memory_space<semaphore_mem>>)
      } else {
      }
    }
    %scan3A_36 = arith.constant 20 : i32
    %dma_wait3A = arith.constant 0 : i32
    %dma_wait3A_37 = arith.constant 0 : i32
    %dma_wait3A_38 = tpu.memref_slice %arg8[%dma_wait3A, %dma_wait3A_37] : memref<80x128xi32, #tpu.memory_space<vmem>> -> memref<1x128xi32, #tpu.memory_space<vmem>>
    %dma_wait3A_39 = tpu.memref_squeeze %dma_wait3A_38 : memref<1x128xi32, #tpu.memory_space<vmem>> -> memref<128xi32, #tpu.memory_space<vmem>>
    %dma_wait3A_40 = arith.constant 0 : i32
    %dma_wait3A_41 = arith.constant 0 : i32
    %dma_wait3A_42 = tpu.memref_slice %arg21[%dma_wait3A_40, %dma_wait3A_41] : memref<10240x16xf32, #tpu.memory_space<vmem_shared>> -> memref<10240x16xf32, #tpu.memory_space<vmem_shared>>
    tpu.wait_indirect_dma semaphore(%arg17 : memref<!tpu.dma_semaphore, #tpu.memory_space<semaphore_mem>>) src(%arg9 : memref<128x16xf32, #tpu.memory_space<vmem>>) dst(%dma_wait3A_42 : memref<10240x16xf32, #tpu.memory_space<vmem_shared>>)
    %dma_wait3A_43 = arith.constant 0 : i32
    %dma_wait3A_44 = arith.constant 0 : i32
    %dma_wait3A_45 = tpu.memref_slice %arg8[%dma_wait3A_43, %dma_wait3A_44] : memref<80x128xi32, #tpu.memory_space<vmem>> -> memref<1x128xi32, #tpu.memory_space<vmem>>
    %dma_wait3A_46 = tpu.memref_squeeze %dma_wait3A_45 : memref<1x128xi32, #tpu.memory_space<vmem>> -> memref<128xi32, #tpu.memory_space<vmem>>
    %dma_wait3A_47 = arith.constant 0 : i32
    %dma_wait3A_48 = arith.constant 0 : i32
    %dma_wait3A_49 = tpu.memref_slice %arg21[%dma_wait3A_47, %dma_wait3A_48] : memref<10240x16xf32, #tpu.memory_space<vmem_shared>> -> memref<10240x16xf32, #tpu.memory_space<vmem_shared>>
    tpu.wait_indirect_dma semaphore(%arg18 : memref<!tpu.dma_semaphore, #tpu.memory_space<semaphore_mem>>) src(%arg10 : memref<128x16xf32, #tpu.memory_space<vmem>>) dst(%dma_wait3A_49 : memref<10240x16xf32, #tpu.memory_space<vmem_shared>>)
    %dma_wait3A_50 = arith.constant 0 : i32
    %dma_wait3A_51 = arith.constant 0 : i32
    %dma_wait3A_52 = tpu.memref_slice %arg8[%dma_wait3A_50, %dma_wait3A_51] : memref<80x128xi32, #tpu.memory_space<vmem>> -> memref<1x128xi32, #tpu.memory_space<vmem>>
    %dma_wait3A_53 = tpu.memref_squeeze %dma_wait3A_52 : memref<1x128xi32, #tpu.memory_space<vmem>> -> memref<128xi32, #tpu.memory_space<vmem>>
    %dma_wait3A_54 = arith.constant 0 : i32
    %dma_wait3A_55 = arith.constant 0 : i32
    %dma_wait3A_56 = tpu.memref_slice %arg21[%dma_wait3A_54, %dma_wait3A_55] : memref<10240x16xf32, #tpu.memory_space<vmem_shared>> -> memref<10240x16xf32, #tpu.memory_space<vmem_shared>>
    tpu.wait_indirect_dma semaphore(%arg19 : memref<!tpu.dma_semaphore, #tpu.memory_space<semaphore_mem>>) src(%arg11 : memref<128x16xf32, #tpu.memory_space<vmem>>) dst(%dma_wait3A_56 : memref<10240x16xf32, #tpu.memory_space<vmem_shared>>)
    %dma_wait3A_57 = arith.constant 0 : i32
    %dma_wait3A_58 = arith.constant 0 : i32
    %dma_wait3A_59 = tpu.memref_slice %arg8[%dma_wait3A_57, %dma_wait3A_58] : memref<80x128xi32, #tpu.memory_space<vmem>> -> memref<1x128xi32, #tpu.memory_space<vmem>>
    %dma_wait3A_60 = tpu.memref_squeeze %dma_wait3A_59 : memref<1x128xi32, #tpu.memory_space<vmem>> -> memref<128xi32, #tpu.memory_space<vmem>>
    %dma_wait3A_61 = arith.constant 0 : i32
    %dma_wait3A_62 = arith.constant 0 : i32
    %dma_wait3A_63 = tpu.memref_slice %arg21[%dma_wait3A_61, %dma_wait3A_62] : memref<10240x16xf32, #tpu.memory_space<vmem_shared>> -> memref<10240x16xf32, #tpu.memory_space<vmem_shared>>
    tpu.wait_indirect_dma semaphore(%arg20 : memref<!tpu.dma_semaphore, #tpu.memory_space<semaphore_mem>>) src(%arg12 : memref<128x16xf32, #tpu.memory_space<vmem>>) dst(%dma_wait3A_63 : memref<10240x16xf32, #tpu.memory_space<vmem_shared>>)
    %barrier3A_64 = arith.constant 0 : index
    tpu.barrier barrier_id(%barrier3A_64)
    %mul3A_65 = arith.constant 640 : i32
    %mul3A_66 = arith.muli %arg1, %mul3A_65 : i32
    %mul3A_67 = arith.constant 640 : i32
    %mul3A_68 = arith.muli %arg1, %mul3A_67 : i32
    "tpu.region"() ({
      %run_scoped3A = tpu.sem_alloc : memref<!tpu.dma_semaphore, #tpu.memory_space<semaphore_mem>>
      %dma_start3A_69 = arith.constant 0 : i32
      %dma_start3A_70 = tpu.memref_slice %arg6[%arg0, %mul3A_68, %dma_start3A_69] : memref<2x10240x16xf32, #tpu.memory_space<hbm>> -> memref<1x640x16xf32, #tpu.memory_space<hbm>>
      %dma_start3A_71 = tpu.memref_squeeze %dma_start3A_70 : memref<1x640x16xf32, #tpu.memory_space<hbm>> -> memref<640x16xf32, #tpu.memory_space<hbm>>
      %dma_start3A_72 = arith.constant 0 : i32
      %dma_start3A_73 = tpu.memref_slice %arg21[%mul3A_66, %dma_start3A_72] : memref<10240x16xf32, #tpu.memory_space<vmem_shared>> -> memref<640x16xf32, #tpu.memory_space<vmem_shared>>
      tpu.enqueue_dma source(%dma_start3A_73 : memref<640x16xf32, #tpu.memory_space<vmem_shared>>) target(%dma_start3A_71 : memref<640x16xf32, #tpu.memory_space<hbm>>) target_semaphore(%run_scoped3A : memref<!tpu.dma_semaphore, #tpu.memory_space<semaphore_mem>>)
      %dma_wait3A_74 = arith.constant 0 : i32
      %dma_wait3A_75 = tpu.memref_slice %arg6[%arg0, %mul3A_68, %dma_wait3A_74] : memref<2x10240x16xf32, #tpu.memory_space<hbm>> -> memref<1x640x16xf32, #tpu.memory_space<hbm>>
      %dma_wait3A_76 = tpu.memref_squeeze %dma_wait3A_75 : memref<1x640x16xf32, #tpu.memory_space<hbm>> -> memref<640x16xf32, #tpu.memory_space<hbm>>
      %dma_wait3A_77 = arith.constant 0 : i32
      %dma_wait3A_78 = tpu.memref_slice %arg21[%mul3A_66, %dma_wait3A_77] : memref<10240x16xf32, #tpu.memory_space<vmem_shared>> -> memref<640x16xf32, #tpu.memory_space<vmem_shared>>
      tpu.wait_dma2 semaphore(%run_scoped3A : memref<!tpu.dma_semaphore, #tpu.memory_space<semaphore_mem>>) src(%dma_wait3A_78 : memref<640x16xf32, #tpu.memory_space<vmem_shared>>) dst(%dma_wait3A_76 : memref<640x16xf32, #tpu.memory_space<hbm>>)
      tpu.yield
    }) : () -> ()
    return
  }
}

module attributes {stable_mosaic.version = 14 : i64} {
  func.func @_tc_b_body(%arg0: i32, %arg1: memref<1024x128xf32, #tpu.memory_space<vmem>>, %arg2: memref<128x128xf32, #tpu.memory_space<vmem>>, %arg3: memref<2x1024x16xf32, #tpu.memory_space<vmem>>, %arg4: memref<1024x128xf32, #tpu.memory_space<vmem>>, %arg5: memref<1024x16xf32, #tpu.memory_space<vmem>>) attributes {dimension_semantics = [#tpu.dimension_semantics<arbitrary>], iteration_bounds = array<i64: 10>, scalar_prefetch = 0 : i64, scratch_operands = 0 : i64, tpu.core_type = #tpu.core_type<tc>, window_params = [{transform_indices = @transform_0, window_bounds = array<i64: 1024, 128>}, {pipeline_mode = #tpu.pipeline_mode<synchronous>, transform_indices = @transform_1, window_bounds = array<i64: 128, 128>}, {transform_indices = @transform_2, window_bounds = array<i64: 2, 1024, 16>}, {transform_indices = @transform_3, window_bounds = array<i64: 1024, 128>}, {transform_indices = @transform_4, window_bounds = array<i64: 1024, 16>}]} {
    %get3A = arith.constant 0 : index
    %get3A_0 = arith.constant 0 : index
    %get3A_1 = arith.constant 0 : index
    %get3A_2 = vector.load %arg3[%get3A, %get3A_0, %get3A_1] : memref<2x1024x16xf32, #tpu.memory_space<vmem>>, vector<1x1024x1xf32>
    %get3A_3 = vector.shape_cast %get3A_2 : vector<1x1024x1xf32> to vector<1024x1xf32>
    %get3A_4 = arith.constant 1 : index
    %get3A_5 = arith.constant 0 : index
    %get3A_6 = arith.constant 0 : index
    %get3A_7 = vector.load %arg3[%get3A_4, %get3A_5, %get3A_6] : memref<2x1024x16xf32, #tpu.memory_space<vmem>>, vector<1x1024x1xf32>
    %get3A_8 = vector.shape_cast %get3A_7 : vector<1x1024x1xf32> to vector<1024x1xf32>
    %add3A = arith.addf %get3A_3, %get3A_8 : vector<1024x1xf32>
    %add3A_9 = arith.constant 1.000000e+00 : f32
    %add3A_10 = vector.broadcast %add3A_9 : f32 to vector<1024x1xf32>
    %add3A_11 = arith.addf %add3A, %add3A_10 : vector<1024x1xf32>
    %rsqrt3A = math.rsqrt %add3A_11 : vector<1024x1xf32>
    %get3A_12 = arith.constant 0 : index
    %get3A_13 = arith.constant 0 : index
    %get3A_14 = vector.load %arg1[%get3A_12, %get3A_13] : memref<1024x128xf32, #tpu.memory_space<vmem>>, vector<1024x128xf32>
    %get3A_15 = arith.constant 0 : index
    %get3A_16 = arith.constant 0 : index
    %get3A_17 = vector.load %arg2[%get3A_15, %get3A_16] : memref<128x128xf32, #tpu.memory_space<vmem>>, vector<128x128xf32>
    %dot_general3A = arith.constant dense<0.000000e+00> : vector<1024x128xf32>
    %dot_general3A_18 = tpu.matmul %get3A_14, %get3A_17, %dot_general3A {dimension_numbers = #tpu.dot_dimension_numbers<[1], [0], [0], [1], [0, 0, 1, 1], [], []>, transpose_lhs_hint = false} : vector<1024x128xf32>, vector<128x128xf32>, vector<1024x128xf32> -> vector<1024x128xf32>
    %mul3A = vector.broadcast %rsqrt3A : vector<1024x1xf32> to vector<1024x128xf32>
    %mul3A_19 = arith.mulf %dot_general3A_18, %mul3A : vector<1024x128xf32>
    %swap3A = arith.constant 0 : index
    %swap3A_20 = arith.constant 0 : index
    %swap3A_21 = vector.load %arg4[%swap3A, %swap3A_20] : memref<1024x128xf32, #tpu.memory_space<vmem>>, vector<1024x128xf32>
    tpu.vector_store %arg4[%swap3A, %swap3A_20], %mul3A_19 {strides = array<i32>} : memref<1024x128xf32, #tpu.memory_space<vmem>>, vector<1024x128xf32>,
    %broadcast_in_dim3A = vector.shape_cast %rsqrt3A : vector<1024x1xf32> to vector<1024x1xf32>
    %broadcast_in_dim3A_22 = vector.broadcast %broadcast_in_dim3A : vector<1024x1xf32> to vector<1024x16xf32>
    %swap3A_23 = arith.constant 0 : index
    %swap3A_24 = arith.constant 0 : index
    %swap3A_25 = vector.load %arg5[%swap3A_23, %swap3A_24] : memref<1024x16xf32, #tpu.memory_space<vmem>>, vector<1024x16xf32>
    tpu.vector_store %arg5[%swap3A_23, %swap3A_24], %broadcast_in_dim3A_22 {strides = array<i32>} : memref<1024x16xf32, #tpu.memory_space<vmem>>, vector<1024x16xf32>,
    return
  }
  func.func @transform_0(%arg0: i32) -> (i32, i32) {
    %c0_i32 = arith.constant 0 : i32
    %c0_i32_0 = arith.constant 0 : i32
    return %arg0, %c0_i32 : i32, i32
  }
  func.func @transform_1(%arg0: i32) -> (i32, i32) {
    %c0_i32 = arith.constant 0 : i32
    %c0_i32_0 = arith.constant 0 : i32
    %c0_i32_1 = arith.constant 0 : i32
    return %c0_i32, %c0_i32_0 : i32, i32
  }
  func.func @transform_2(%arg0: i32) -> (i32, i32, i32) {
    %c0_i32 = arith.constant 0 : i32
    %c0_i32_0 = arith.constant 0 : i32
    %c0_i32_1 = arith.constant 0 : i32
    return %c0_i32, %arg0, %c0_i32_0 : i32, i32, i32
  }
  func.func @transform_3(%arg0: i32) -> (i32, i32) {
    %c0_i32 = arith.constant 0 : i32
    %c0_i32_0 = arith.constant 0 : i32
    return %arg0, %c0_i32 : i32, i32
  }
  func.func @transform_4(%arg0: i32) -> (i32, i32) {
    %c0_i32 = arith.constant 0 : i32
    %c0_i32_0 = arith.constant 0 : i32
    return %arg0, %c0_i32 : i32, i32
  }
}

module attributes {stable_mosaic.version = 14 : i64} {
  func.func @_tc_d_body(%arg0: i32, %arg1: memref<2x1024x128xf32, #tpu.memory_space<vmem>>, %arg2: memref<1024x128xf32, #tpu.memory_space<vmem>>, %arg3: memref<1024x16xf32, #tpu.memory_space<vmem>>, %arg4: memref<1x128xf32, #tpu.memory_space<vmem>>, %arg5: memref<128x16xf32, #tpu.memory_space<vmem>>, %arg6: memref<1024x16xf32, #tpu.memory_space<vmem>>) attributes {dimension_semantics = [#tpu.dimension_semantics<arbitrary>], iteration_bounds = array<i64: 10>, scalar_prefetch = 0 : i64, scratch_operands = 0 : i64, tpu.core_type = #tpu.core_type<tc>, window_params = [{transform_indices = @transform_0, window_bounds = array<i64: 2, 1024, 128>}, {transform_indices = @transform_1, window_bounds = array<i64: 1024, 128>}, {transform_indices = @transform_2, window_bounds = array<i64: 1024, 16>}, {pipeline_mode = #tpu.pipeline_mode<synchronous>, transform_indices = @transform_3, window_bounds = array<i64: 1, 128>}, {pipeline_mode = #tpu.pipeline_mode<synchronous>, transform_indices = @transform_4, window_bounds = array<i64: 128, 16>}, {transform_indices = @transform_5, window_bounds = array<i64: 1024, 16>}]} {
    %get3A = arith.constant 0 : index
    %get3A_0 = arith.constant 0 : index
    %get3A_1 = vector.load %arg3[%get3A, %get3A_0] : memref<1024x16xf32, #tpu.memory_space<vmem>>, vector<1024x1xf32>
    %get3A_2 = arith.constant 0 : index
    %get3A_3 = arith.constant 0 : index
    %get3A_4 = arith.constant 0 : index
    %get3A_5 = vector.load %arg1[%get3A_2, %get3A_3, %get3A_4] : memref<2x1024x128xf32, #tpu.memory_space<vmem>>, vector<1x1024x128xf32>
    %get3A_6 = vector.shape_cast %get3A_5 : vector<1x1024x128xf32> to vector<1024x128xf32>
    %get3A_7 = arith.constant 1 : index
    %get3A_8 = arith.constant 0 : index
    %get3A_9 = arith.constant 0 : index
    %get3A_10 = vector.load %arg1[%get3A_7, %get3A_8, %get3A_9] : memref<2x1024x128xf32, #tpu.memory_space<vmem>>, vector<1x1024x128xf32>
    %get3A_11 = vector.shape_cast %get3A_10 : vector<1x1024x128xf32> to vector<1024x128xf32>
    %add3A = arith.addf %get3A_6, %get3A_11 : vector<1024x128xf32>
    %get3A_12 = arith.constant 0 : index
    %get3A_13 = arith.constant 0 : index
    %get3A_14 = vector.load %arg2[%get3A_12, %get3A_13] : memref<1024x128xf32, #tpu.memory_space<vmem>>, vector<1024x128xf32>
    %add3A_15 = arith.addf %add3A, %get3A_14 : vector<1024x128xf32>
    %mul3A = vector.broadcast %get3A_1 : vector<1024x1xf32> to vector<1024x128xf32>
    %mul3A_16 = arith.mulf %add3A_15, %mul3A : vector<1024x128xf32>
    %get3A_17 = arith.constant 0 : index
    %get3A_18 = arith.constant 0 : index
    %get3A_19 = vector.load %arg4[%get3A_17, %get3A_18] : memref<1x128xf32, #tpu.memory_space<vmem>>, vector<1x128xf32>
    %add3A_20 = vector.broadcast %get3A_19 : vector<1x128xf32> to vector<1024x128xf32>
    %add3A_21 = arith.addf %mul3A_16, %add3A_20 : vector<1024x128xf32>
    %max3A = arith.constant 0.000000e+00 : f32
    %max3A_22 = vector.broadcast %max3A : f32 to vector<1024x128xf32>
    %max3A_23 = arith.maximumf %add3A_21, %max3A_22 : vector<1024x128xf32>
    %get3A_24 = arith.constant 0 : index
    %get3A_25 = arith.constant 0 : index
    %get3A_26 = vector.load %arg5[%get3A_24, %get3A_25] : memref<128x16xf32, #tpu.memory_space<vmem>>, vector<128x16xf32>
    %dot_general3A = arith.constant dense<0.000000e+00> : vector<1024x16xf32>
    %dot_general3A_27 = tpu.matmul %max3A_23, %get3A_26, %dot_general3A {dimension_numbers = #tpu.dot_dimension_numbers<[1], [0], [0], [1], [0, 0, 1, 1], [], []>, transpose_lhs_hint = false} : vector<1024x128xf32>, vector<128x16xf32>, vector<1024x16xf32> -> vector<1024x16xf32>
    %mul3A_28 = vector.broadcast %get3A_1 : vector<1024x1xf32> to vector<1024x16xf32>
    %mul3A_29 = arith.mulf %dot_general3A_27, %mul3A_28 : vector<1024x16xf32>
    %swap3A = arith.constant 0 : index
    %swap3A_30 = arith.constant 0 : index
    %swap3A_31 = vector.load %arg6[%swap3A, %swap3A_30] : memref<1024x16xf32, #tpu.memory_space<vmem>>, vector<1024x16xf32>
    tpu.vector_store %arg6[%swap3A, %swap3A_30], %mul3A_29 {strides = array<i32>} : memref<1024x16xf32, #tpu.memory_space<vmem>>, vector<1024x16xf32>,
    return
  }
  func.func @transform_0(%arg0: i32) -> (i32, i32, i32) {
    %c0_i32 = arith.constant 0 : i32
    %c0_i32_0 = arith.constant 0 : i32
    %c0_i32_1 = arith.constant 0 : i32
    return %c0_i32, %arg0, %c0_i32_0 : i32, i32, i32
  }
  func.func @transform_1(%arg0: i32) -> (i32, i32) {
    %c0_i32 = arith.constant 0 : i32
    %c0_i32_0 = arith.constant 0 : i32
    return %arg0, %c0_i32 : i32, i32
  }
  func.func @transform_2(%arg0: i32) -> (i32, i32) {
    %c0_i32 = arith.constant 0 : i32
    %c0_i32_0 = arith.constant 0 : i32
    return %arg0, %c0_i32 : i32, i32
  }
  func.func @transform_3(%arg0: i32) -> (i32, i32) {
    %c0_i32 = arith.constant 0 : i32
    %c0_i32_0 = arith.constant 0 : i32
    %c0_i32_1 = arith.constant 0 : i32
    return %c0_i32, %c0_i32_0 : i32, i32
  }
  func.func @transform_4(%arg0: i32) -> (i32, i32) {
    %c0_i32 = arith.constant 0 : i32
    %c0_i32_0 = arith.constant 0 : i32
    %c0_i32_1 = arith.constant 0 : i32
    return %c0_i32, %c0_i32_0 : i32, i32
  }
  func.func @transform_5(%arg0: i32) -> (i32, i32) {
    %c0_i32 = arith.constant 0 : i32
    %c0_i32_0 = arith.constant 0 : i32
    return %arg0, %c0_i32 : i32, i32
  }
}

module attributes {stable_mosaic.version = 14 : i64} {
  func.func @_tc_f_body(%arg0: i32, %arg1: memref<2x1024x16xf32, #tpu.memory_space<vmem>>, %arg2: memref<1024x16xf32, #tpu.memory_space<vmem>>, %arg3: memref<1024x16xf32, #tpu.memory_space<vmem>>, %arg4: memref<1x16xf32, #tpu.memory_space<vmem>>, %arg5: memref<1024x16xf32, #tpu.memory_space<vmem>>) attributes {dimension_semantics = [#tpu.dimension_semantics<arbitrary>], iteration_bounds = array<i64: 10>, scalar_prefetch = 0 : i64, scratch_operands = 0 : i64, tpu.core_type = #tpu.core_type<tc>, window_params = [{transform_indices = @transform_0, window_bounds = array<i64: 2, 1024, 16>}, {transform_indices = @transform_1, window_bounds = array<i64: 1024, 16>}, {transform_indices = @transform_2, window_bounds = array<i64: 1024, 16>}, {pipeline_mode = #tpu.pipeline_mode<synchronous>, transform_indices = @transform_3, window_bounds = array<i64: 1, 16>}, {transform_indices = @transform_4, window_bounds = array<i64: 1024, 16>}]} {
    %get3A = arith.constant 0 : index
    %get3A_0 = arith.constant 0 : index
    %get3A_1 = vector.load %arg3[%get3A, %get3A_0] : memref<1024x16xf32, #tpu.memory_space<vmem>>, vector<1024x16xf32>
    %get3A_2 = arith.constant 0 : index
    %get3A_3 = arith.constant 0 : index
    %get3A_4 = arith.constant 0 : index
    %get3A_5 = vector.load %arg1[%get3A_2, %get3A_3, %get3A_4] : memref<2x1024x16xf32, #tpu.memory_space<vmem>>, vector<1x1024x16xf32>
    %get3A_6 = vector.shape_cast %get3A_5 : vector<1x1024x16xf32> to vector<1024x16xf32>
    %get3A_7 = arith.constant 1 : index
    %get3A_8 = arith.constant 0 : index
    %get3A_9 = arith.constant 0 : index
    %get3A_10 = vector.load %arg1[%get3A_7, %get3A_8, %get3A_9] : memref<2x1024x16xf32, #tpu.memory_space<vmem>>, vector<1x1024x16xf32>
    %get3A_11 = vector.shape_cast %get3A_10 : vector<1x1024x16xf32> to vector<1024x16xf32>
    %add3A = arith.addf %get3A_6, %get3A_11 : vector<1024x16xf32>
    %get3A_12 = arith.constant 0 : index
    %get3A_13 = arith.constant 0 : index
    %get3A_14 = vector.load %arg2[%get3A_12, %get3A_13] : memref<1024x16xf32, #tpu.memory_space<vmem>>, vector<1024x16xf32>
    %add3A_15 = arith.addf %add3A, %get3A_14 : vector<1024x16xf32>
    %mul3A = arith.mulf %get3A_1, %add3A_15 : vector<1024x16xf32>
    %get3A_16 = arith.constant 0 : index
    %get3A_17 = arith.constant 0 : index
    %get3A_18 = vector.load %arg4[%get3A_16, %get3A_17] : memref<1x16xf32, #tpu.memory_space<vmem>>, vector<1x16xf32>
    %add3A_19 = vector.broadcast %get3A_18 : vector<1x16xf32> to vector<1024x16xf32>
    %add3A_20 = arith.addf %mul3A, %add3A_19 : vector<1024x16xf32>
    %swap3A = arith.constant 0 : index
    %swap3A_21 = arith.constant 0 : index
    %swap3A_22 = vector.load %arg5[%swap3A, %swap3A_21] : memref<1024x16xf32, #tpu.memory_space<vmem>>, vector<1024x16xf32>
    tpu.vector_store %arg5[%swap3A, %swap3A_21], %add3A_20 {strides = array<i32>} : memref<1024x16xf32, #tpu.memory_space<vmem>>, vector<1024x16xf32>,
    return
  }
  func.func @transform_0(%arg0: i32) -> (i32, i32, i32) {
    %c0_i32 = arith.constant 0 : i32
    %c0_i32_0 = arith.constant 0 : i32
    %c0_i32_1 = arith.constant 0 : i32
    return %c0_i32, %arg0, %c0_i32_0 : i32, i32, i32
  }
  func.func @transform_1(%arg0: i32) -> (i32, i32) {
    %c0_i32 = arith.constant 0 : i32
    %c0_i32_0 = arith.constant 0 : i32
    return %arg0, %c0_i32 : i32, i32
  }
  func.func @transform_2(%arg0: i32) -> (i32, i32) {
    %c0_i32 = arith.constant 0 : i32
    %c0_i32_0 = arith.constant 0 : i32
    return %arg0, %c0_i32 : i32, i32
  }
  func.func @transform_3(%arg0: i32) -> (i32, i32) {
    %c0_i32 = arith.constant 0 : i32
    %c0_i32_0 = arith.constant 0 : i32
    %c0_i32_1 = arith.constant 0 : i32
    return %c0_i32, %c0_i32_0 : i32, i32
  }
  func.func @transform_4(%arg0: i32) -> (i32, i32) {
    %c0_i32 = arith.constant 0 : i32
    %c0_i32_0 = arith.constant 0 : i32
    return %arg0, %c0_i32 : i32, i32
  }
}

</mosaic_0001>

<sc_bundles>
// kernel: kernel.11.cloned.1.call-start
scs
__scs_entry_jumppad:
0x0: {  	(pc) =	sbr.rel $0x88, $3  }
0x1: {  	(tag) =	ssettag $0x0;
	lr =	simm.s32 $0x1  }
0x2: {  	[smem:$0x3F9B] =	sst lr;
	_ =	strace $0xD0000000  }
0x3: {  	_ = 	snop  }
0x4: {  	_ = 	snop  }
0x5: {  	_ = 	snop  }
0x6: {  	_ = 	snop  }
0x7: {  	_ = 	snop  }
__scs_overlays_trampoline_lowered:
0x8: {  	[smem:$0x3FAA] =	sst s0  }
0x9: {  	[smem:$0x3FAB] =	sst s1  }
0xa: {  	[smem:$0x3FAC] =	sst s2  }
0xb: {  	[smem:$0x3FAD] =	sst s3  }
0xc: {  	[smem:$0x3FAE] =	sst s4  }
0xd: {  	[smem:$0x3FAF] =	sst s5  }
0xe: {  	[smem:$0x3FB0] =	sst s6  }
0xf: {  	[smem:$0x3FB1] =	sst s7  }
0x10: {  	[smem:$0x3FB2] =	sst s8  }
0x11: {  	[smem:$0x3FB3] =	sst s9;
	s0 =	simm.s32 @!p0 $0x0  }
0x12: {  	s1 =	sld [smem:$0x3F99];
	s0 =	simm.s32 @p0 $0x1  }
0x13: {  	[smem:$0x3FB4] =	sst s0;
	s0 =	simm.s32 @!p1 $0x0  }
0x14: {  	s2 =	sld [smem:$0x3F98];
	s0 =	simm.s32 @p1 $0x1  }
0x15: {  	[smem:$0x3FB5] =	sst s0;
	s0 =	simm.s32 @!p2 $0x0  }
0x16: {  	s3 =	sld [smem:$0x3FDB];
	s0 =	simm.s32 @p2 $0x1  }
0x17: {  	s4 =	simm.s32 $0x1BF5;
	[smem:$0x3FB7] =	sst s0  }
0x18: {  	s0 =	sld [smem:$0x3F9A];
	_ =	swait.ge [sflag:s4], $0x0  }
0x19: {  	s7 =	sld [smem:$0x3F9B]  }
0x1a: {  	s8 =	sadd.s32 $0xFFFFE003, lr  }
0x1b: {  	s9 =	sadd.s32 $0xFFFFFEF7, lr;
	s5 =	simm.s32 $0xFFFFFFFF;
	p2 =	slt.u32 s8, $0xFFFFF086  }
0x1c: {  	p1 =	slt.u32 s9, $0xF7A;
	s5 =	simm.s32 @!p2 $0x0  }
0x1d: {  	s5 =	simm.s32 @p1 $0x1;
	p0 =	seq.s32 s7, s2  }
0x1e: {  	s7 =	smul.u32 @!p0 $0xF7A, s2;
	p2 =	seq.s32 @!p0 s5, $0x0  }
0x1f: {  	s9 =	smul.u32 $0xF7A, s1;
	s8 =	simm.s32 @!p0 $0x1BF5;
	p2 =	por !p2, p0  }
0x20: {  	[sflag:s8] =	ssyncset.s32 @!p0 $0xFFFFF086;
	s6 =	sadd.s32 @!p0 s3, s7;
	s7 =	simm.s32 @!p0 $0x108  }
0x21: {  	s3 =	sadd.s32 s3, s9;
	s6 =	sadd.s32 @!p0 $0x88, s6;
	s7 =	simm.s32 @p2 $0x1082  }
0x22: {  	[simem:s7], [sflag:s8] =	dma.local @!p0 [hbm:s6], $0xF7A  }
0x23: {  	s9 =	sor.u32 $0xD0000000, s2;
	s6 =	simm.s32 $0x108;
	_ =	swait.ge @!p0 [sflag:s8], $0x0  }
0x24: {  	s3 =	sadd.s32 $0x88, s3;
	s6 =	simm.s32 @!p1 $0x1082;
	[sflag:s4] =	ssyncset.s32 $0xFFFFF086  }
0x25: {  	[simem:s6], [sflag:s4] =	dma.local [hbm:s3], $0xF7A  }
0x26: {  	[smem:$0x3F9B] =	sst s1;
	(tag) =	ssettag s2;
	_ =	strace s9  }
0x27: {  	s1 =	sld [smem:$0x3FAB]  }
0x28: {  	s2 =	sld [smem:$0x3FAC]  }
0x29: {  	s4 =	sld [smem:$0x3FAE]  }
0x2a: {  	p0 =	seq.s32 s5, $0x0;
	s5 =	sld [smem:$0x3FAF]  }
0x2b: {  	s6 =	sld [smem:$0x3FB0]  }
0x2c: {  	s7 =	sld [smem:$0x3FB1]  }
0x2d: {  	s3 =	simm.s32 $0x108;
	s8 =	sld [smem:$0x3FB2]  }
0x2e: {  	s3 =	simm.s32 @!p0 $0x1082;
	s9 =	sld [smem:$0x3FB3]  }
0x2f: {  	lr =	sadd.s32 s0, s3;
	s0 =	sld [smem:$0x3FAA]  }
0x30: {  	s3 =	sld [smem:$0x3FAD]  }
0x31: {  	[smem:$0x3FB6] =	sst s10  }
0x32: {  	s10 =	sld [smem:$0x3FB4];
	_ =	sdelay $0x3  }
0x33: {  	p0 =	seq.s32 s10, $0x1;
	s10 =	sld [smem:$0x3FB6];
	_ =	sdelay $0x3  }
0x34: {  	[smem:$0x3FB6] =	sst s10  }
0x35: {  	s10 =	sld [smem:$0x3FB5];
	_ =	sdelay $0x3  }
0x36: {  	p1 =	seq.s32 s10, $0x1;
	s10 =	sld [smem:$0x3FB6];
	_ =	sdelay $0x3  }
0x37: {  	[smem:$0x3FB6] =	sst s10  }
0x38: {  	s10 =	sld [smem:$0x3FB7]  }
0x39: {  	_ = 	snop;
	(pc) =	sbr.ind lr, $3  }
0x3a: {  	_ = 	snop  }
0x3b: {  	_ = 	snop  }
0x3c: {  	p2 =	seq.s32 s10, $0x1;
	s10 =	sld [smem:$0x3FB6]  }
0x3d: {  	_ =	shalt  }
0x3e: {  	_ =	shalt  }
0x3f: {  	_ =	shalt  }
0x40: {  	_ =	shalt  }
0x41: {  	_ =	shalt  }
0x42: {  	_ =	shalt  }
0x43: {  	_ =	shalt  }
0x44: {  	_ =	shalt  }
0x45: {  	_ =	shalt  }
0x46: {  	_ =	shalt  }
0x47: {  	_ =	shalt  }
0x48: {  	_ =	shalt  }
0x49: {  	_ =	shalt  }
0x4a: {  	_ =	shalt  }
0x4b: {  	_ =	shalt  }
0x4c: {  	_ =	shalt  }
0x4d: {  	_ =	shalt  }
0x4e: {  	_ =	shalt  }
0x4f: {  	_ =	shalt  }
0x50: {  	_ =	shalt  }
0x51: {  	_ =	shalt  }
0x52: {  	_ =	shalt  }
0x53: {  	_ =	shalt  }
0x54: {  	_ =	shalt  }
0x55: {  	_ =	shalt  }
0x56: {  	_ =	shalt  }
0x57: {  	_ =	shalt  }
0x58: {  	_ =	shalt  }
0x59: {  	_ =	shalt  }
0x5a: {  	_ =	shalt  }
0x5b: {  	_ =	shalt  }
0x5c: {  	_ =	shalt  }
0x5d: {  	_ =	shalt  }
0x5e: {  	_ =	shalt  }
0x5f: {  	_ =	shalt  }
0x60: {  	_ =	shalt  }
0x61: {  	_ =	shalt  }
0x62: {  	_ =	shalt  }
0x63: {  	_ =	shalt  }
0x64: {  	_ =	shalt  }
0x65: {  	_ =	shalt  }
0x66: {  	_ =	shalt  }
0x67: {  	_ =	shalt  }
0x68: {  	_ =	shalt  }
0x69: {  	_ =	shalt  }
0x6a: {  	_ =	shalt  }
0x6b: {  	_ =	shalt  }
0x6c: {  	_ =	shalt  }
0x6d: {  	_ =	shalt  }
0x6e: {  	_ =	shalt  }
0x6f: {  	_ =	shalt  }
0x70: {  	_ =	shalt  }
0x71: {  	_ =	shalt  }
0x72: {  	_ =	shalt  }
0x73: {  	_ =	shalt  }
0x74: {  	_ =	shalt  }
0x75: {  	_ =	shalt  }
0x76: {  	_ =	shalt  }
0x77: {  	_ =	shalt  }
0x78: {  	_ =	shalt  }
0x79: {  	_ =	shalt  }
0x7a: {  	_ =	shalt  }
0x7b: {  	_ =	shalt  }
0x7c: {  	_ =	shalt  }
0x7d: {  	_ =	shalt  }
0x7e: {  	_ =	shalt  }
0x7f: {  	_ =	shalt  }
0x80: {  	_ =	shalt  }
0x81: {  	_ =	shalt  }
0x82: {  	_ =	shalt  }
0x83: {  	_ =	shalt  }
0x84: {  	_ =	shalt  }
0x85: {  	_ =	shalt  }
0x86: {  	_ =	shalt  }
0x87: {  	_ =	shalt  }
.Lfunc_end0:
.L_simem_size_0:
called_computation.1_lowered:
.L_overlay_start_0:
0x88: {  	s2 =	sld [smem:$0x3FD9]  }
0x89: {  	s3 =	sld [smem:$0x3FFE];
	_ =	sdelay $0x1  }
0x8a: {  	s1 =	srdreg.scid  }
0x8b: {  	s0 =	sand.u32 $0x1, s1  }
0x8c: {  	s16 =	sshll.u32 s0, $0xA;
	s2 =	sadd.s32 s3, s2  }
0x8d: {  	s2 =	sadd.s32 s2, s16  }
0x8e: {  	[smem:$0x3FC2] =	sst s2  }
0x8f: {  	_ = 	snop  }
0x90: {  	(tm) =	ssettm $0x1  }
0x91: {  	s17 =	sld [smem:$0x3FFB];
	_ =	sdelay $0x3  }
0x92: {  	_ =	strace s17  }
0x93: {  	s2 =	sld [smem:$0x3FFC];
	_ =	sdelay $0x3  }
0x94: {  	_ =	strace s2  }
0x95: {  	s2 =	sld [smem:$0x3FFD];
	_ =	sdelay $0x3  }
0x96: {  	_ =	strace s2  }
0x97: {  	_ =	strace $0x8FFFFFFF  }
0x98: {  	s18 =	sld [smem:$0x3FDB];
	_ =	sdelay $0x1  }
0x99: {  	s19 =	simm.s32 $_scs_section_size  }
0x9a: {  	s4 =	simm.s32 $_size__tile_overlayer_lowered;
	s5 =	simm.s32 $_tile_overlayer_lowered  }
0x9b: {  	s22 =	simm.s32 $0x1BFF;
	s21 =	sshll.u32 s5, $0x1;
	s2 =	sadd.s32 s19, s18  }
0x9c: {  	s6 =	simm.s32 $0x0;
	s20 =	sshll.u32 s4, $0x1;
	s4 =	sadd.s32 s21, s2  }
0x9d: {  	[timem:s6], [sflag:s22] =	dma.local [hbm:s4], s20  }
0x9e: {  	_ =	swait.ge [sflag:s22], s20  }
0x9f: {  	s3 =	ssub.s32 $0x0, s20;
	[sflag:s22] =	ssyncset.done $0x0  }
0xa0: {  	[sflag:s22] =	ssyncadd.s32 s3;
	_ =	sdelay $0x1  }
0xa1: {  	s23 =	simm.s32 $0x1B8B  }
0xa2: {  	_ =	swait.ge [sflag:s23], $0x1  }
0xa3: {  	[sflag:s23] =	ssyncset.done $0x0  }
0xa4: {  	s25 =	simm.s32 $0x1B8E;
	s24 =	sld [smem:$0x3FFE];
	[sflag:s23] =	ssyncadd.s32 $0xFFFFFFFF  }
0xa5: {  	s26 =	simm.s32 $execute0_lowered;
	[smem:$0x3FD2] =	sst s25  }
0xa6: {  	s4 =	sshll.u32 s26, $0x1;
	_ =	strace $0x80000049;
	[dreg:$0x1] =	wrdreg $0xFFFFFFFF  }
0xa7: {  	s28 =	simm.s32 $_size_execute0_lowered;
	s2 =	sadd.s32 s2, s4;
	[dreg:$0x0] =	wrdreg $0x0  }
0xa8: {  	s4 =	sshll.u32 s28, $0x1;
	[dreg:$0x2] =	wrdreg s2  }
0xa9: {  	[dreg:$0x3] =	wrdreg s4  }
0xaa: {  	[dreg:$0x4] =	wrdreg $0xC0  }
0xab: {  	_ =	task [dreg:s6], $0x5FFFF  }
0xac: {  	[dreg:$0x1] =	wrdreg $0xFFFFFFFF  }
0xad: {  	[dreg:$0x0] =	wrdreg $0x60  }
0xae: {  	[dreg:$0x2] =	wrdreg s24  }
0xaf: {  	[dreg:$0x3] =	wrdreg $0xB1000  }
0xb0: {  	[dreg:$0x4] =	wrdreg $0x9  }
0xb1: {  	_ =	task.clear_ibuf [dreg:s6], $0x5FFFF;
	_ =	strace $0x90000049  }
0xb2: {  	s29 =	simm.s32 $0x9;
	_ =	strace $0x8000004B  }
0xb3: {  	_ =	swait.ge [sflag:s29], $0x1  }
0xb4: {  	[sflag:s29] =	ssyncadd.s32 $0xFFFFFFFF  }
0xb5: {  	_ =	strace $0x9000004B  }
0xb6: {  	_ =	sfence  }
0xb7: {  	s30 =	sld [smem:$0x0];
	_ =	sdelay $0x2  }
0xb8: {  	s31 =	sshll.u32 s1, $0xD;
	s1 =	sshrl.u32 s1, $0x2  }
0xb9: {  	s3 =	sand.u32 $0x4000, s31;
	s1 =	sadd.s32 s1, s30  }
0xba: {  	s0 =	sor.u32 s3, s0;
	s1 =	sshll.u32 s1, $0x11  }
0xbb: {  	s0 =	sor.u32 s1, s0  }
0xbc: {  	s0 =	sadd.s32 $0x8F2B, s0  }
0xbd: {  	[sflag:s0] =	ssyncadd.remote.s32 $0x1  }
0xbe: {  	_ =	sfence.sel $0xFFFF  }
0xbf: {  	[dreg:$0x0] =	wrdreg $0xFFFFFFFF;
	(pc) =	sbr.abs _section_cstart, $3  }
0xc0: {  	[dreg:$0x1] =	wrdreg $0xFFFFFFFF  }
0xc1: {  	_ =	task.clear_ibuf [dreg:s6], $0x2FFFF;
	_ =	strace $0x9FFFFFFF  }
0xc2: {  	(tm) =	ssettm $0x7FFFFFFF  }
0xc3: {  	_ =	shalt  }
tec
execute0_lowered:
.L_overlay_start_1:
0x0: {  	(tag) =	ssettag $0x1  }
0x1: {  	s6 =	rddreg [dreg:$0x0]  }
0x2: {  	s0 =	srdreg.scid;
	s2 =	rddreg [dreg:$0x1]  }
0x3: {  	s3 =	simm.s32 $0x0;
	s14 =	simm.s32 $0x60;
	s15 =	simm.s32 $0x5100  }
0x4: {  	s16 =	simm.s32 $0x8100;
	s17 =	simm.s32 $0x1;
	s18 =	simm.s32 $0x2  }
0x5: {  	s19 =	simm.s32 $0x3;
	s20 =	simm.s32 $0x4;
	s21 =	simm.s32 $0x5040  }
0x6: {  	s22 =	simm.s32 $0x50A0;
	s5 =	sand.u32 $0x1, s0;
	s0 =	stileid.u32  }
0x7: {  	s23 =	simm.s32 $0x0;
	[smem:$0x7FF] =	sst s3;
	s8 =	smul.u32 $0x14000, s0  }
0x8: {  	s4 =	sadd.s32 $0x39800, s6;
	s1 =	sshll.u32 s5, $0x4;
	s9 =	smul.u32 $0x140000, s5  }
0x9: {  	s5 =	ssub.s32 $0x2, s5;
	s31 =	sshll.u32 s0, $0x6;
	s1 =	sor.u32 s0, s1  }
0xa: {  	s11 =	sshrl.u32 s5, $0x1;
	s7 =	smul.u32 $0x510, s1;
	s1 =	rddreg [dreg:$0x2]  }
0xb: {  	_ =	strace $0x8000004A;
	s29 =	sadd.s32 s8, s9;
	s30 =	sshrl.u32 s8, $0x3  }
0xc: {  	s11 =	ssub.s32 s5, s11;
	s13 =	sadd.s32 s8, s2;
	s9 =	sadd.s32 s30, s6  }
0xd: {  	s10 =	sadd.s32 s7, s6;
	s7 =	sshrl.u32 s29, $0x3;
	s5 =	sadd.s32 $0x61800, s9  }
0xe: {  	s12 =	sadd.s32 s7, s6;
	s6 =	sor.u32 $0x1C05, s31;
	s7 =	sadd.s32 $0x2F600, s10  }
0xf: {  	s8 =	sadd.s32 $0x25400, s10;
	s10 =	smax.u32 s11, $0x1;
	s11 =	sshrl.u32 s13, $0x3  }
0x10: {  	s13 =	simm.s32 $0x2880;
	s9 =	sadd.s32 $0x89800, s12;
	s12 =	simm.s32 $0x5  }
.LBB2_1:
0x11: {  	[spmem:s11], [sflag:s6] =	dma.local [hbm:s5], $0x2800  }
0x12: {  	_ =	swait.ge [sflag:s12], $0x2800  }
0x13: {  	[sflag:s12] =	ssyncset.done $0x0  }
0x14: {  	[sflag:s12] =	ssyncadd.s32 $0xFFFFD800  }
0x15: {  	[tilespmem:s3], [sflag:$0x5] =	stream.linear.gather [hbm4b:s7+s3], $0x2880, $0x38;
	[tilespmem:$0x1F100] =	vst v63  }
0x16: {  	_ =	swait.ge [sflag:s12], $0x2880  }
0x17: {  	[sflag:s12] =	ssyncset.done $0x0  }
0x18: {  	[sflag:s12] =	ssyncadd.s32 $0xFFFFD780  }
0x19: {  	[tilespmem:s13], [sflag:$0x5] =	stream.linear.gather [hbm4b:s8+s3], $0x2880, $0x38;
	[tilespmem:$0x1F100] =	vst v63  }
0x1a: {  	_ =	swait.ge [sflag:s12], $0x2880  }
0x1b: {  	[sflag:s12] =	ssyncset.done $0x0  }
0x1c: {  	[sflag:s12] =	ssyncadd.s32 $0xFFFFD780  }
0x1d: {  	[bflag:$0x0] =	sbarrier.arrive $0xFFFF  }
0x1e: {  	[tilespmem:s15], [sflag:$0x1] =	stream.indirect.gather [hbm4b:s4+s14], $0x80, s3, s14, $0xb8;
	[tilespmem:$0x1F100] =	vst v63  }
0x1f: {  	_ = 	snop  }
0x20: {  	[tilespmem:s16], [sflag:$0x2] =	stream.indirect.gather [hbm4b:s4+s14], $0x80, s14, s14, $0xb8;
	[tilespmem:$0x1F100] =	vst v63  }
0x21: {  	_ =	swait.ge [sflag:s17], $0x3000  }
0x22: {  	[sflag:s17] =	ssyncset.done $0x0  }
0x23: {  	s24 =	simm.s32 $0x2880;
	[sflag:s17] =	ssyncadd.s32 $0xFFFFD000  }
0x24: {  	[spmem:s2] =	stream.indirect.scatter.add.f32 [tilespmem:s15], [sflag:$0x3], $0x80, s24, s14, $0xb8;
	[tilespmem:$0x1F100] =	vst v63  }
0x25: {  	_ =	swait.ge [sflag:s18], $0x3000  }
0x26: {  	[sflag:s18] =	ssyncset.done $0x0  }
0x27: {  	s30 =	simm.s32 $0x28E0;
	[sflag:s18] =	ssyncadd.s32 $0xFFFFD000  }
0x28: {  	[spmem:s2] =	stream.indirect.scatter.add.f32 [tilespmem:s16], [sflag:$0x4], $0x80, s30, s14, $0xb8;
	[tilespmem:$0x1F100] =	vst v63  }
0x29: {  	_ =	swait.ge [sflag:s19], $0x3000  }
0x2a: {  	[sflag:s19] =	ssyncset.done $0x0  }
0x2b: {  	s31 =	simm.s32 $0xC0;
	[sflag:s19] =	ssyncadd.s32 $0xFFFFD000  }
0x2c: {  	[tilespmem:s15], [sflag:$0x1] =	stream.indirect.gather [hbm4b:s4+s14], $0x80, s31, s14, $0xb8;
	[tilespmem:$0x1F100] =	vst v63  }
0x2d: {  	_ =	swait.ge [sflag:s20], $0x3000  }
0x2e: {  	[sflag:s20] =	ssyncset.done $0x0  }
0x2f: {  	s25 =	simm.s32 $0x120;
	s24 =	simm.s32 $0x300;
	[sflag:s20] =	ssyncadd.s32 $0xFFFFD000  }
.LBB2_2:
0x30: {  	[tilespmem:s16], [sflag:$0x2] =	stream.indirect.gather [hbm4b:s4+s14], $0x80, s25, s14, $0xb8;
	[tilespmem:$0x1F100] =	vst v63  }
0x31: {  	s25 =	smov.u32 s24  }
0x32: {  	p0 =	sne.s32 s24, $0x9C00;
	s24 =	sadd.s32 $0x300, s24;
	_ =	swait.ge [sflag:s17], $0x3000  }
0x33: {  	s25 =	sshra.s32 s25, $0x2;
	[sflag:s17] =	ssyncset.done $0x0  }
0x34: {  	s26 =	sadd.s32 $0x2880, s25;
	[sflag:s17] =	ssyncadd.s32 $0xFFFFD000  }
0x35: {  	[spmem:s2] =	stream.indirect.scatter.add.f32 [tilespmem:s15], [sflag:$0x3], $0x80, s26, s14, $0xb8;
	[tilespmem:$0x1F100] =	vst v63  }
0x36: {  	_ =	swait.ge [sflag:s18], $0x3000  }
0x37: {  	[sflag:s18] =	ssyncset.done $0x0  }
0x38: {  	s26 =	sadd.s32 $0x28E0, s25;
	[sflag:s18] =	ssyncadd.s32 $0xFFFFD000  }
0x39: {  	[spmem:s2] =	stream.indirect.scatter.add.f32 [tilespmem:s16], [sflag:$0x4], $0x80, s26, s14, $0xb8;
	[tilespmem:$0x1F100] =	vst v63  }
0x3a: {  	_ =	swait.ge [sflag:s19], $0x3000  }
0x3b: {  	[sflag:s19] =	ssyncset.done $0x0  }
.Ltmp0:
0x3c: {  	s26 =	sadd.s32 $0xC0, s25;
	[sflag:s19] =	ssyncadd.s32 $0xFFFFD000;
	(pc) =	sbr.rel @p0 .LBB2_2-.Ltmp0, $4  }
0x3d: {  	[tilespmem:s15], [sflag:$0x1] =	stream.indirect.gather [hbm4b:s4+s14], $0x80, s26, s14, $0xb8;
	[tilespmem:$0x1F100] =	vst v63  }
0x3e: {  	_ =	swait.ge [sflag:s20], $0x3000  }
0x3f: {  	[sflag:s20] =	ssyncset.done $0x0  }
0x40: {  	s25 =	sadd.s32 $0x120, s25;
	[sflag:s20] =	ssyncadd.s32 $0xFFFFD000  }
0x41: {  	[tilespmem:s16], [sflag:$0x2] =	stream.indirect.gather [hbm4b:s4+s14], $0x80, s25, s14, $0xb8;
	[tilespmem:$0x1F100] =	vst v63  }
0x42: {  	_ =	swait.ge [sflag:s17], $0x3000  }
0x43: {  	[sflag:s17] =	ssyncset.done $0x0  }
0x44: {  	[sflag:s17] =	ssyncadd.s32 $0xFFFFD000  }
0x45: {  	[spmem:s2] =	stream.indirect.scatter.add.f32 [tilespmem:s15], [sflag:$0x3], $0x80, s21, s14, $0xb8;
	[tilespmem:$0x1F100] =	vst v63  }
0x46: {  	_ =	swait.ge [sflag:s18], $0x3000  }
0x47: {  	[sflag:s18] =	ssyncset.done $0x0  }
0x48: {  	[sflag:s18] =	ssyncadd.s32 $0xFFFFD000  }
0x49: {  	[spmem:s2] =	stream.indirect.scatter.add.f32 [tilespmem:s16], [sflag:$0x4], $0x80, s22, s14, $0xb8;
	[tilespmem:$0x1F100] =	vst v63  }
0x4a: {  	_ =	swait.ge [sflag:s19], $0x3000  }
0x4b: {  	[sflag:s19] =	ssyncset.done $0x0  }
0x4c: {  	[sflag:s19] =	ssyncadd.s32 $0xFFFFD000  }
0x4d: {  	_ =	swait.ge [sflag:s20], $0x3000  }
0x4e: {  	s23 =	sadd.s32 $0x1, s23;
	[sflag:s20] =	ssyncset.done $0x0  }
0x4f: {  	p0 =	sne.s32 s23, s10;
	[sflag:s20] =	ssyncadd.s32 $0xFFFFD000  }
.Ltmp1:
0x50: {  	[bflag:$0x0] =	sbarrier.arrive $0xFFFF;
	(pc) =	sbr.rel @p0 .LBB2_1-.Ltmp1, $4  }
0x51: {  	[hbm:s9], [sflag:s6] =	dma.local [spmem:s11], $0x2800  }
0x52: {  	_ =	swait.ge [sflag:s12], $0x2800  }
0x53: {  	[sflag:s12] =	ssyncset.done $0x0  }
0x54: {  	[sflag:s12] =	ssyncadd.s32 $0xFFFFD800  }
0x55: {  	_ =	sfence.sel $0x180000  }
0x56: {  	[bflag:$0x0] =	sbarrier.arrive $0xFFFF  }
0x57: {  	p0 =	sne.s32 s0, $0x0;
	_ =	strace $0x9000004A  }
0x58: {  	s0 =	sadd.s32 @!p0 $0x100000, s1;
	[bflag:$0x2] =	sbarrier.arrive $0xFFFF  }
0x59: {  	[sflag:s0] =	ssyncadd.tile.s32 @!p0 $0x1;
	_ =	shalt  }
.Lfunc_end2:
_tile_overlayer_lowered:
.L_overlay_start_2:
0x5a: {  	(tag) =	ssettag $0x2  }
0x5b: {  	s0 =	rddreg [dreg:$0x0];
	s2 =	stileid.u32  }
0x5c: {  	s1 =	rddreg [dreg:$0x1];
	p0 =	sne.s32 s2, $0x0  }
0x5d: {  	s3 =	rddreg [dreg:$0x2];
	[bflag:$0x3] =	sbarrier.arrive $0xFFFF;
	s2 =	simm.s32 @!p0 $0x1C05  }
0x5e: {  	[timem:s3], [sflag:s2] =	dma.local @!p0 [hbm:s0], s1  }
0x5f: {  	s0 =	simm.s32 @!p0 $0x5  }
0x60: {  	_ =	swait.ge @!p0 [sflag:s0], s1  }
0x61: {  	s1 =	ssub.s32 @!p0 $0x0, s1;
	[sflag:s0] =	ssyncset.done @!p0 $0x0  }
0x62: {  	[sflag:s0] =	ssyncadd.s32 @!p0 s1  }
0x63: {  	[bflag:$0x3] =	sbarrier.arrive $0xFFFF  }
0x64: {  	_ =	shalt  }

// kernel: kernel.14.cloned.1.call-start
scs
__scs_entry_jumppad:
0x0: {  	(pc) =	sbr.rel $0x88, $3  }
0x1: {  	(tag) =	ssettag $0x0;
	lr =	simm.s32 $0x1  }
0x2: {  	[smem:$0x3F9B] =	sst lr;
	_ =	strace $0xD0000000  }
0x3: {  	_ = 	snop  }
0x4: {  	_ = 	snop  }
0x5: {  	_ = 	snop  }
0x6: {  	_ = 	snop  }
0x7: {  	_ = 	snop  }
__scs_overlays_trampoline_lowered:
0x8: {  	[smem:$0x3FAA] =	sst s0  }
0x9: {  	[smem:$0x3FAB] =	sst s1  }
0xa: {  	[smem:$0x3FAC] =	sst s2  }
0xb: {  	[smem:$0x3FAD] =	sst s3  }
0xc: {  	[smem:$0x3FAE] =	sst s4  }
0xd: {  	[smem:$0x3FAF] =	sst s5  }
0xe: {  	[smem:$0x3FB0] =	sst s6  }
0xf: {  	[smem:$0x3FB1] =	sst s7  }
0x10: {  	[smem:$0x3FB2] =	sst s8  }
0x11: {  	[smem:$0x3FB3] =	sst s9;
	s0 =	simm.s32 @!p0 $0x0  }
0x12: {  	s1 =	sld [smem:$0x3F99];
	s0 =	simm.s32 @p0 $0x1  }
0x13: {  	[smem:$0x3FB4] =	sst s0;
	s0 =	simm.s32 @!p1 $0x0  }
0x14: {  	s2 =	sld [smem:$0x3F98];
	s0 =	simm.s32 @p1 $0x1  }
0x15: {  	[smem:$0x3FB5] =	sst s0;
	s0 =	simm.s32 @!p2 $0x0  }
0x16: {  	s3 =	sld [smem:$0x3FDB];
	s0 =	simm.s32 @p2 $0x1  }
0x17: {  	s4 =	simm.s32 $0x1BF5;
	[smem:$0x3FB7] =	sst s0  }
0x18: {  	s0 =	sld [smem:$0x3F9A];
	_ =	swait.ge [sflag:s4], $0x0  }
0x19: {  	s7 =	sld [smem:$0x3F9B]  }
0x1a: {  	s8 =	sadd.s32 $0xFFFFE003, lr  }
0x1b: {  	s9 =	sadd.s32 $0xFFFFFEF7, lr;
	s5 =	simm.s32 $0xFFFFFFFF;
	p2 =	slt.u32 s8, $0xFFFFF086  }
0x1c: {  	p1 =	slt.u32 s9, $0xF7A;
	s5 =	simm.s32 @!p2 $0x0  }
0x1d: {  	s5 =	simm.s32 @p1 $0x1;
	p0 =	seq.s32 s7, s2  }
0x1e: {  	s7 =	smul.u32 @!p0 $0xF7A, s2;
	p2 =	seq.s32 @!p0 s5, $0x0  }
0x1f: {  	s9 =	smul.u32 $0xF7A, s1;
	s8 =	simm.s32 @!p0 $0x1BF5;
	p2 =	por !p2, p0  }
0x20: {  	[sflag:s8] =	ssyncset.s32 @!p0 $0xFFFFF086;
	s6 =	sadd.s32 @!p0 s3, s7;
	s7 =	simm.s32 @!p0 $0x108  }
0x21: {  	s3 =	sadd.s32 s3, s9;
	s6 =	sadd.s32 @!p0 $0x88, s6;
	s7 =	simm.s32 @p2 $0x1082  }
0x22: {  	[simem:s7], [sflag:s8] =	dma.local @!p0 [hbm:s6], $0xF7A  }
0x23: {  	s9 =	sor.u32 $0xD0000000, s2;
	s6 =	simm.s32 $0x108;
	_ =	swait.ge @!p0 [sflag:s8], $0x0  }
0x24: {  	s3 =	sadd.s32 $0x88, s3;
	s6 =	simm.s32 @!p1 $0x1082;
	[sflag:s4] =	ssyncset.s32 $0xFFFFF086  }
0x25: {  	[simem:s6], [sflag:s4] =	dma.local [hbm:s3], $0xF7A  }
0x26: {  	[smem:$0x3F9B] =	sst s1;
	(tag) =	ssettag s2;
	_ =	strace s9  }
0x27: {  	s1 =	sld [smem:$0x3FAB]  }
0x28: {  	s2 =	sld [smem:$0x3FAC]  }
0x29: {  	s4 =	sld [smem:$0x3FAE]  }
0x2a: {  	p0 =	seq.s32 s5, $0x0;
	s5 =	sld [smem:$0x3FAF]  }
0x2b: {  	s6 =	sld [smem:$0x3FB0]  }
0x2c: {  	s7 =	sld [smem:$0x3FB1]  }
0x2d: {  	s3 =	simm.s32 $0x108;
	s8 =	sld [smem:$0x3FB2]  }
0x2e: {  	s3 =	simm.s32 @!p0 $0x1082;
	s9 =	sld [smem:$0x3FB3]  }
0x2f: {  	lr =	sadd.s32 s0, s3;
	s0 =	sld [smem:$0x3FAA]  }
0x30: {  	s3 =	sld [smem:$0x3FAD]  }
0x31: {  	[smem:$0x3FB6] =	sst s10  }
0x32: {  	s10 =	sld [smem:$0x3FB4];
	_ =	sdelay $0x3  }
0x33: {  	p0 =	seq.s32 s10, $0x1;
	s10 =	sld [smem:$0x3FB6];
	_ =	sdelay $0x3  }
0x34: {  	[smem:$0x3FB6] =	sst s10  }
0x35: {  	s10 =	sld [smem:$0x3FB5];
	_ =	sdelay $0x3  }
0x36: {  	p1 =	seq.s32 s10, $0x1;
	s10 =	sld [smem:$0x3FB6];
	_ =	sdelay $0x3  }
0x37: {  	[smem:$0x3FB6] =	sst s10  }
0x38: {  	s10 =	sld [smem:$0x3FB7]  }
0x39: {  	_ = 	snop;
	(pc) =	sbr.ind lr, $3  }
0x3a: {  	_ = 	snop  }
0x3b: {  	_ = 	snop  }
0x3c: {  	p2 =	seq.s32 s10, $0x1;
	s10 =	sld [smem:$0x3FB6]  }
0x3d: {  	_ =	shalt  }
0x3e: {  	_ =	shalt  }
0x3f: {  	_ =	shalt  }
0x40: {  	_ =	shalt  }
0x41: {  	_ =	shalt  }
0x42: {  	_ =	shalt  }
0x43: {  	_ =	shalt  }
0x44: {  	_ =	shalt  }
0x45: {  	_ =	shalt  }
0x46: {  	_ =	shalt  }
0x47: {  	_ =	shalt  }
0x48: {  	_ =	shalt  }
0x49: {  	_ =	shalt  }
0x4a: {  	_ =	shalt  }
0x4b: {  	_ =	shalt  }
0x4c: {  	_ =	shalt  }
0x4d: {  	_ =	shalt  }
0x4e: {  	_ =	shalt  }
0x4f: {  	_ =	shalt  }
0x50: {  	_ =	shalt  }
0x51: {  	_ =	shalt  }
0x52: {  	_ =	shalt  }
0x53: {  	_ =	shalt  }
0x54: {  	_ =	shalt  }
0x55: {  	_ =	shalt  }
0x56: {  	_ =	shalt  }
0x57: {  	_ =	shalt  }
0x58: {  	_ =	shalt  }
0x59: {  	_ =	shalt  }
0x5a: {  	_ =	shalt  }
0x5b: {  	_ =	shalt  }
0x5c: {  	_ =	shalt  }
0x5d: {  	_ =	shalt  }
0x5e: {  	_ =	shalt  }
0x5f: {  	_ =	shalt  }
0x60: {  	_ =	shalt  }
0x61: {  	_ =	shalt  }
0x62: {  	_ =	shalt  }
0x63: {  	_ =	shalt  }
0x64: {  	_ =	shalt  }
0x65: {  	_ =	shalt  }
0x66: {  	_ =	shalt  }
0x67: {  	_ =	shalt  }
0x68: {  	_ =	shalt  }
0x69: {  	_ =	shalt  }
0x6a: {  	_ =	shalt  }
0x6b: {  	_ =	shalt  }
0x6c: {  	_ =	shalt  }
0x6d: {  	_ =	shalt  }
0x6e: {  	_ =	shalt  }
0x6f: {  	_ =	shalt  }
0x70: {  	_ =	shalt  }
0x71: {  	_ =	shalt  }
0x72: {  	_ =	shalt  }
0x73: {  	_ =	shalt  }
0x74: {  	_ =	shalt  }
0x75: {  	_ =	shalt  }
0x76: {  	_ =	shalt  }
0x77: {  	_ =	shalt  }
0x78: {  	_ =	shalt  }
0x79: {  	_ =	shalt  }
0x7a: {  	_ =	shalt  }
0x7b: {  	_ =	shalt  }
0x7c: {  	_ =	shalt  }
0x7d: {  	_ =	shalt  }
0x7e: {  	_ =	shalt  }
0x7f: {  	_ =	shalt  }
0x80: {  	_ =	shalt  }
0x81: {  	_ =	shalt  }
0x82: {  	_ =	shalt  }
0x83: {  	_ =	shalt  }
0x84: {  	_ =	shalt  }
0x85: {  	_ =	shalt  }
0x86: {  	_ =	shalt  }
0x87: {  	_ =	shalt  }
.Lfunc_end0:
.L_simem_size_0:
called_computation.2_lowered:
.L_overlay_start_0:
0x88: {  	s2 =	sld [smem:$0x3FD9]  }
0x89: {  	s3 =	sld [smem:$0x3FFE];
	_ =	sdelay $0x1  }
0x8a: {  	s1 =	srdreg.scid  }
0x8b: {  	s0 =	sand.u32 $0x1, s1  }
0x8c: {  	s16 =	sshll.u32 s0, $0xA;
	s2 =	sadd.s32 s3, s2  }
0x8d: {  	s2 =	sadd.s32 s2, s16  }
0x8e: {  	[smem:$0x3FC2] =	sst s2  }
0x8f: {  	_ = 	snop  }
0x90: {  	(tm) =	ssettm $0x1  }
0x91: {  	s17 =	sld [smem:$0x3FFB];
	_ =	sdelay $0x3  }
0x92: {  	_ =	strace s17  }
0x93: {  	s2 =	sld [smem:$0x3FFC];
	_ =	sdelay $0x3  }
0x94: {  	_ =	strace s2  }
0x95: {  	s2 =	sld [smem:$0x3FFD];
	_ =	sdelay $0x3  }
0x96: {  	_ =	strace s2  }
0x97: {  	_ =	strace $0x8FFFFFFF  }
0x98: {  	s18 =	sld [smem:$0x3FDB];
	_ =	sdelay $0x1  }
0x99: {  	s19 =	simm.s32 $_scs_section_size  }
0x9a: {  	s4 =	simm.s32 $_size__tile_overlayer_lowered;
	s5 =	simm.s32 $_tile_overlayer_lowered  }
0x9b: {  	s22 =	simm.s32 $0x1BFF;
	s21 =	sshll.u32 s5, $0x1;
	s2 =	sadd.s32 s19, s18  }
0x9c: {  	s6 =	simm.s32 $0x0;
	s20 =	sshll.u32 s4, $0x1;
	s4 =	sadd.s32 s21, s2  }
0x9d: {  	[timem:s6], [sflag:s22] =	dma.local [hbm:s4], s20  }
0x9e: {  	_ =	swait.ge [sflag:s22], s20  }
0x9f: {  	s3 =	ssub.s32 $0x0, s20;
	[sflag:s22] =	ssyncset.done $0x0  }
0xa0: {  	[sflag:s22] =	ssyncadd.s32 s3;
	_ =	sdelay $0x1  }
0xa1: {  	s23 =	simm.s32 $0x1B8B  }
0xa2: {  	_ =	swait.ge [sflag:s23], $0x1  }
0xa3: {  	[sflag:s23] =	ssyncset.done $0x0  }
0xa4: {  	s25 =	simm.s32 $0x1B8E;
	s24 =	sld [smem:$0x3FFE];
	[sflag:s23] =	ssyncadd.s32 $0xFFFFFFFF  }
0xa5: {  	s26 =	simm.s32 $execute0_lowered;
	[smem:$0x3FD2] =	sst s25  }
0xa6: {  	s4 =	sshll.u32 s26, $0x1;
	_ =	strace $0x8000004C;
	[dreg:$0x1] =	wrdreg $0xFFFFFFFF  }
0xa7: {  	s28 =	simm.s32 $_size_execute0_lowered;
	s2 =	sadd.s32 s2, s4;
	[dreg:$0x0] =	wrdreg $0x0  }
0xa8: {  	s4 =	sshll.u32 s28, $0x1;
	[dreg:$0x2] =	wrdreg s2  }
0xa9: {  	[dreg:$0x3] =	wrdreg s4  }
0xaa: {  	[dreg:$0x4] =	wrdreg $0xC0  }
0xab: {  	_ =	task [dreg:s6], $0x5FFFF  }
0xac: {  	[dreg:$0x1] =	wrdreg $0xFFFFFFFF  }
0xad: {  	[dreg:$0x0] =	wrdreg $0x60  }
0xae: {  	[dreg:$0x2] =	wrdreg s24  }
0xaf: {  	[dreg:$0x3] =	wrdreg $0x70000  }
0xb0: {  	[dreg:$0x4] =	wrdreg $0x9  }
0xb1: {  	_ =	task.clear_ibuf [dreg:s6], $0x5FFFF;
	_ =	strace $0x9000004C  }
0xb2: {  	s29 =	simm.s32 $0x9;
	_ =	strace $0x8000004E  }
0xb3: {  	_ =	swait.ge [sflag:s29], $0x1  }
0xb4: {  	[sflag:s29] =	ssyncadd.s32 $0xFFFFFFFF  }
0xb5: {  	_ =	strace $0x9000004E  }
0xb6: {  	_ =	sfence  }
0xb7: {  	s30 =	sld [smem:$0x0];
	_ =	sdelay $0x2  }
0xb8: {  	s31 =	sshll.u32 s1, $0xD;
	s1 =	sshrl.u32 s1, $0x2  }
0xb9: {  	s3 =	sand.u32 $0x4000, s31;
	s1 =	sadd.s32 s1, s30  }
0xba: {  	s0 =	sor.u32 s3, s0;
	s1 =	sshll.u32 s1, $0x11  }
0xbb: {  	s0 =	sor.u32 s1, s0  }
0xbc: {  	s0 =	sadd.s32 $0x8F2B, s0  }
0xbd: {  	[sflag:s0] =	ssyncadd.remote.s32 $0x1  }
0xbe: {  	_ =	sfence.sel $0xFFFF  }
0xbf: {  	[dreg:$0x0] =	wrdreg $0xFFFFFFFF;
	(pc) =	sbr.abs _section_cstart, $3  }
0xc0: {  	[dreg:$0x1] =	wrdreg $0xFFFFFFFF  }
0xc1: {  	_ =	task.clear_ibuf [dreg:s6], $0x2FFFF;
	_ =	strace $0x9FFFFFFF  }
0xc2: {  	(tm) =	ssettm $0x7FFFFFFF  }
0xc3: {  	_ =	shalt  }
tec
execute0_lowered:
.L_overlay_start_1:
0x0: {  	(tag) =	ssettag $0x1  }
0x1: {  	s0 =	srdreg.scid;
	s5 =	rddreg [dreg:$0x0]  }
0x2: {  	s11 =	stileid.u32;
	s2 =	rddreg [dreg:$0x1];
	s3 =	simm.s32 $0x0  }
0x3: {  	s12 =	simm.s32 $0x9;
	s14 =	simm.s32 $0x80;
	s15 =	simm.s32 $0x5000  }
0x4: {  	s16 =	simm.s32 $0x5800;
	s18 =	simm.s32 $0x6000;
	s20 =	simm.s32 $0x6800  }
0x5: {  	s21 =	simm.s32 $0x1;
	s22 =	simm.s32 $0x2;
	s23 =	simm.s32 $0x3  }
0x6: {  	s24 =	simm.s32 $0x4;
	s25 =	simm.s32 $0x5;
	s28 =	simm.s32 $0x7  }
0x7: {  	s29 =	simm.s32 $0x8;
	s31 =	simm.s32 $0x4E80;
	s13 =	simm.s32 $0x0  }
0x8: {  	s0 =	sand.u32 $0x1, s0;
	s6 =	smul.u32 $0x2800, s11;
	[smem:$0x7FF] =	sst s3  }
0x9: {  	s4 =	sadd.s32 $0x1B400, s5;
	s26 =	sshll.u32 s11, $0x6;
	s1 =	sshll.u32 s0, $0x4  }
0xa: {  	s7 =	smul.u32 $0x28000, s0;
	_ =	strace $0x8000004D;
	s0 =	ssub.s32 $0x2, s0  }
0xb: {  	s1 =	sor.u32 s11, s1;
	s8 =	sshrl.u32 s6, $0x3;
	s9 =	sshrl.u32 s0, $0x1  }
0xc: {  	s30 =	sadd.s32 s6, s2;
	s1 =	smul.u32 $0x500, s1;
	s7 =	sadd.s32 s6, s7  }
0xd: {  	s8 =	sadd.s32 s8, s5;
	s0 =	ssub.s32 s0, s9;
	s6 =	sor.u32 $0x1C09, s26  }
0xe: {  	s11 =	sshrl.u32 s30, $0x3;
	s26 =	simm.s32 $0x6;
	s7 =	sshrl.u32 s7, $0x3  }
0xf: {  	s1 =	sadd.s32 s1, s5;
	s10 =	sadd.s32 s7, s5;
	s5 =	sadd.s32 $0x16400, s8  }
0x10: {  	s7 =	sadd.s32 $0x2400, s1;
	s8 =	sadd.s32 $0xC400, s1;
	s9 =	sadd.s32 $0x20400, s10  }
0x11: {  	s10 =	smax.u32 s0, $0x1;
	s1 =	simm.s32 $0x4F00;
	s0 =	simm.s32 $0x4F80  }
.LBB2_1:
0x12: {  	[spmem:s11], [sflag:s6] =	dma.local [hbm:s5], $0x500  }
0x13: {  	_ =	swait.ge [sflag:s12], $0x500  }
0x14: {  	[sflag:s12] =	ssyncset.done $0x0  }
0x15: {  	[sflag:s12] =	ssyncadd.s32 $0xFFFFFB00  }
0x16: {  	[tilespmem:s3], [sflag:$0x9] =	stream.linear.gather [hbm4b:s7+s3], $0x2800, $0x38;
	[tilespmem:$0x9800] =	vst v63  }
0x17: {  	_ =	swait.ge [sflag:s12], $0x2800  }
0x18: {  	[sflag:s12] =	ssyncset.done $0x0  }
0x19: {  	s17 =	simm.s32 $0x2800;
	[sflag:s12] =	ssyncadd.s32 $0xFFFFD800  }
0x1a: {  	[tilespmem:s17], [sflag:$0x9] =	stream.linear.gather [hbm4b:s8+s3], $0x2800, $0x38;
	[tilespmem:$0x9800] =	vst v63  }
0x1b: {  	_ =	swait.ge [sflag:s12], $0x2800  }
0x1c: {  	[sflag:s12] =	ssyncset.done $0x0  }
0x1d: {  	[sflag:s12] =	ssyncadd.s32 $0xFFFFD800  }
0x1e: {  	[bflag:$0x0] =	sbarrier.arrive $0xFFFF  }
0x1f: {  	[tilespmem:s15], [sflag:$0x1] =	stream.indirect.gather [hbm4b:s4+s14], $0x10, s3, s14, $0xb8;
	[tilespmem:$0x9800] =	vst v63  }
0x20: {  	_ = 	snop  }
0x21: {  	[tilespmem:s16], [sflag:$0x2] =	stream.indirect.gather [hbm4b:s4+s14], $0x10, s14, s14, $0xb8;
	[tilespmem:$0x9800] =	vst v63  }
0x22: {  	s30 =	simm.s32 $0x100  }
0x23: {  	[tilespmem:s18], [sflag:$0x3] =	stream.indirect.gather [hbm4b:s4+s14], $0x10, s30, s14, $0xb8;
	[tilespmem:$0x9800] =	vst v63  }
0x24: {  	s19 =	simm.s32 $0x180  }
0x25: {  	[tilespmem:s20], [sflag:$0x4] =	stream.indirect.gather [hbm4b:s4+s14], $0x10, s19, s14, $0xb8;
	[tilespmem:$0x9800] =	vst v63  }
0x26: {  	_ =	swait.ge [sflag:s21], $0x800  }
0x27: {  	[sflag:s21] =	ssyncset.done $0x0  }
0x28: {  	s30 =	simm.s32 $0x2800;
	[sflag:s21] =	ssyncadd.s32 $0xFFFFF800  }
0x29: {  	[spmem:s2] =	stream.indirect.scatter.add.f32 [tilespmem:s15], [sflag:$0x5], $0x10, s30, s14, $0xb8;
	[tilespmem:$0x9800] =	vst v63  }
0x2a: {  	_ =	swait.ge [sflag:s22], $0x800  }
0x2b: {  	[sflag:s22] =	ssyncset.done $0x0  }
0x2c: {  	s19 =	simm.s32 $0x2880;
	[sflag:s22] =	ssyncadd.s32 $0xFFFFF800  }
0x2d: {  	[spmem:s2] =	stream.indirect.scatter.add.f32 [tilespmem:s16], [sflag:$0x6], $0x10, s19, s14, $0xb8;
	[tilespmem:$0x9800] =	vst v63  }
0x2e: {  	_ =	swait.ge [sflag:s23], $0x800  }
0x2f: {  	[sflag:s23] =	ssyncset.done $0x0  }
0x30: {  	s30 =	simm.s32 $0x2900;
	[sflag:s23] =	ssyncadd.s32 $0xFFFFF800  }
0x31: {  	[spmem:s2] =	stream.indirect.scatter.add.f32 [tilespmem:s18], [sflag:$0x7], $0x10, s30, s14, $0xb8;
	[tilespmem:$0x9800] =	vst v63  }
0x32: {  	_ =	swait.ge [sflag:s24], $0x800  }
0x33: {  	[sflag:s24] =	ssyncset.done $0x0  }
0x34: {  	s19 =	simm.s32 $0x2980;
	[sflag:s24] =	ssyncadd.s32 $0xFFFFF800  }
0x35: {  	[spmem:s2] =	stream.indirect.scatter.add.f32 [tilespmem:s20], [sflag:$0x8], $0x10, s19, s14, $0xb8;
	[tilespmem:$0x9800] =	vst v63  }
0x36: {  	_ =	swait.ge [sflag:s25], $0x800  }
0x37: {  	[sflag:s25] =	ssyncset.done $0x0  }
0x38: {  	s30 =	simm.s32 $0x200;
	[sflag:s25] =	ssyncadd.s32 $0xFFFFF800  }
0x39: {  	[tilespmem:s15], [sflag:$0x1] =	stream.indirect.gather [hbm4b:s4+s14], $0x10, s30, s14, $0xb8;
	[tilespmem:$0x9800] =	vst v63  }
0x3a: {  	_ =	swait.ge [sflag:s26], $0x800  }
0x3b: {  	[sflag:s26] =	ssyncset.done $0x0  }
0x3c: {  	s19 =	simm.s32 $0x280;
	[sflag:s26] =	ssyncadd.s32 $0xFFFFF800  }
0x3d: {  	[tilespmem:s16], [sflag:$0x2] =	stream.indirect.gather [hbm4b:s4+s14], $0x10, s19, s14, $0xb8;
	[tilespmem:$0x9800] =	vst v63  }
0x3e: {  	_ =	swait.ge [sflag:s28], $0x800  }
0x3f: {  	[sflag:s28] =	ssyncset.done $0x0  }
0x40: {  	s30 =	simm.s32 $0x300;
	[sflag:s28] =	ssyncadd.s32 $0xFFFFF800  }
0x41: {  	[tilespmem:s18], [sflag:$0x3] =	stream.indirect.gather [hbm4b:s4+s14], $0x10, s30, s14, $0xb8;
	[tilespmem:$0x9800] =	vst v63  }
0x42: {  	_ =	swait.ge [sflag:s29], $0x800  }
0x43: {  	[sflag:s29] =	ssyncset.done $0x0  }
0x44: {  	s17 =	simm.s32 $0x800;
	s19 =	simm.s32 $0x380;
	[sflag:s29] =	ssyncadd.s32 $0xFFFFF800  }
.LBB2_2:
0x45: {  	[tilespmem:s20], [sflag:$0x4] =	stream.indirect.gather [hbm4b:s4+s14], $0x10, s19, s14, $0xb8;
	[tilespmem:$0x9800] =	vst v63  }
0x46: {  	s19 =	smov.u32 s17  }
0x47: {  	p0 =	sne.s32 s17, $0x9000;
	s17 =	sadd.s32 $0x800, s17;
	_ =	swait.ge [sflag:s21], $0x800  }
0x48: {  	s19 =	sshra.s32 s19, $0x2;
	[sflag:s21] =	ssyncset.done $0x0  }
0x49: {  	s30 =	sadd.s32 $0x2800, s19;
	[sflag:s21] =	ssyncadd.s32 $0xFFFFF800  }
0x4a: {  	[spmem:s2] =	stream.indirect.scatter.add.f32 [tilespmem:s15], [sflag:$0x5], $0x10, s30, s14, $0xb8;
	[tilespmem:$0x9800] =	vst v63  }
0x4b: {  	_ =	swait.ge [sflag:s22], $0x800  }
0x4c: {  	[sflag:s22] =	ssyncset.done $0x0  }
0x4d: {  	s30 =	sadd.s32 $0x2880, s19;
	[sflag:s22] =	ssyncadd.s32 $0xFFFFF800  }
0x4e: {  	[spmem:s2] =	stream.indirect.scatter.add.f32 [tilespmem:s16], [sflag:$0x6], $0x10, s30, s14, $0xb8;
	[tilespmem:$0x9800] =	vst v63  }
0x4f: {  	_ =	swait.ge [sflag:s23], $0x800  }
0x50: {  	[sflag:s23] =	ssyncset.done $0x0  }
0x51: {  	s30 =	sadd.s32 $0x2900, s19;
	[sflag:s23] =	ssyncadd.s32 $0xFFFFF800  }
0x52: {  	[spmem:s2] =	stream.indirect.scatter.add.f32 [tilespmem:s18], [sflag:$0x7], $0x10, s30, s14, $0xb8;
	[tilespmem:$0x9800] =	vst v63  }
0x53: {  	_ =	swait.ge [sflag:s24], $0x800  }
0x54: {  	[sflag:s24] =	ssyncset.done $0x0  }
0x55: {  	s30 =	sadd.s32 $0x2980, s19;
	[sflag:s24] =	ssyncadd.s32 $0xFFFFF800  }
0x56: {  	[spmem:s2] =	stream.indirect.scatter.add.f32 [tilespmem:s20], [sflag:$0x8], $0x10, s30, s14, $0xb8;
	[tilespmem:$0x9800] =	vst v63  }
0x57: {  	_ =	swait.ge [sflag:s25], $0x800  }
0x58: {  	[sflag:s25] =	ssyncset.done $0x0  }
0x59: {  	s30 =	sadd.s32 $0x200, s19;
	[sflag:s25] =	ssyncadd.s32 $0xFFFFF800  }
0x5a: {  	[tilespmem:s15], [sflag:$0x1] =	stream.indirect.gather [hbm4b:s4+s14], $0x10, s30, s14, $0xb8;
	[tilespmem:$0x9800] =	vst v63  }
0x5b: {  	_ =	swait.ge [sflag:s26], $0x800  }
0x5c: {  	[sflag:s26] =	ssyncset.done $0x0  }
0x5d: {  	s30 =	sadd.s32 $0x280, s19;
	[sflag:s26] =	ssyncadd.s32 $0xFFFFF800  }
0x5e: {  	[tilespmem:s16], [sflag:$0x2] =	stream.indirect.gather [hbm4b:s4+s14], $0x10, s30, s14, $0xb8;
	[tilespmem:$0x9800] =	vst v63  }
0x5f: {  	_ =	swait.ge [sflag:s28], $0x800  }
0x60: {  	[sflag:s28] =	ssyncset.done $0x0  }
.Ltmp0:
0x61: {  	s30 =	sadd.s32 $0x300, s19;
	[sflag:s28] =	ssyncadd.s32 $0xFFFFF800;
	(pc) =	sbr.rel @p0 .LBB2_2-.Ltmp0, $4  }
0x62: {  	[tilespmem:s18], [sflag:$0x3] =	stream.indirect.gather [hbm4b:s4+s14], $0x10, s30, s14, $0xb8;
	[tilespmem:$0x9800] =	vst v63  }
0x63: {  	_ =	swait.ge [sflag:s29], $0x800  }
0x64: {  	[sflag:s29] =	ssyncset.done $0x0  }
0x65: {  	s19 =	sadd.s32 $0x380, s19;
	[sflag:s29] =	ssyncadd.s32 $0xFFFFF800  }
0x66: {  	[tilespmem:s20], [sflag:$0x4] =	stream.indirect.gather [hbm4b:s4+s14], $0x10, s19, s14, $0xb8;
	[tilespmem:$0x9800] =	vst v63  }
0x67: {  	_ =	swait.ge [sflag:s21], $0x800  }
0x68: {  	[sflag:s21] =	ssyncset.done $0x0  }
0x69: {  	s17 =	simm.s32 $0x4E00;
	[sflag:s21] =	ssyncadd.s32 $0xFFFFF800  }
0x6a: {  	[spmem:s2] =	stream.indirect.scatter.add.f32 [tilespmem:s15], [sflag:$0x5], $0x10, s17, s14, $0xb8;
	[tilespmem:$0x9800] =	vst v63  }
0x6b: {  	_ =	swait.ge [sflag:s22], $0x800  }
0x6c: {  	[sflag:s22] =	ssyncset.done $0x0  }
0x6d: {  	[sflag:s22] =	ssyncadd.s32 $0xFFFFF800  }
0x6e: {  	[spmem:s2] =	stream.indirect.scatter.add.f32 [tilespmem:s16], [sflag:$0x6], $0x10, s31, s14, $0xb8;
	[tilespmem:$0x9800] =	vst v63  }
0x6f: {  	_ =	swait.ge [sflag:s23], $0x800  }
0x70: {  	[sflag:s23] =	ssyncset.done $0x0  }
0x71: {  	[sflag:s23] =	ssyncadd.s32 $0xFFFFF800  }
0x72: {  	[spmem:s2] =	stream.indirect.scatter.add.f32 [tilespmem:s18], [sflag:$0x7], $0x10, s1, s14, $0xb8;
	[tilespmem:$0x9800] =	vst v63  }
0x73: {  	_ =	swait.ge [sflag:s24], $0x800  }
0x74: {  	[sflag:s24] =	ssyncset.done $0x0  }
0x75: {  	[sflag:s24] =	ssyncadd.s32 $0xFFFFF800  }
0x76: {  	[spmem:s2] =	stream.indirect.scatter.add.f32 [tilespmem:s20], [sflag:$0x8], $0x10, s0, s14, $0xb8;
	[tilespmem:$0x9800] =	vst v63  }
0x77: {  	_ =	swait.ge [sflag:s25], $0x800  }
0x78: {  	[sflag:s25] =	ssyncset.done $0x0  }
0x79: {  	[sflag:s25] =	ssyncadd.s32 $0xFFFFF800  }
0x7a: {  	_ =	swait.ge [sflag:s26], $0x800  }
0x7b: {  	[sflag:s26] =	ssyncset.done $0x0  }
0x7c: {  	[sflag:s26] =	ssyncadd.s32 $0xFFFFF800  }
0x7d: {  	_ =	swait.ge [sflag:s28], $0x800  }
0x7e: {  	[sflag:s28] =	ssyncset.done $0x0  }
0x7f: {  	[sflag:s28] =	ssyncadd.s32 $0xFFFFF800  }
0x80: {  	_ =	swait.ge [sflag:s29], $0x800  }
0x81: {  	s13 =	sadd.s32 $0x1, s13;
	[sflag:s29] =	ssyncset.done $0x0  }
0x82: {  	p0 =	sne.s32 s13, s10;
	[sflag:s29] =	ssyncadd.s32 $0xFFFFF800  }
.Ltmp1:
0x83: {  	[bflag:$0x0] =	sbarrier.arrive $0xFFFF;
	(pc) =	sbr.rel @p0 .LBB2_1-.Ltmp1, $4  }
0x84: {  	[hbm:s9], [sflag:s6] =	dma.local [spmem:s11], $0x500  }
0x85: {  	_ =	swait.ge [sflag:s12], $0x500  }
0x86: {  	[sflag:s12] =	ssyncset.done $0x0  }
0x87: {  	[sflag:s12] =	ssyncadd.s32 $0xFFFFFB00  }
0x88: {  	_ =	sfence.sel $0x180000  }
0x89: {  	[bflag:$0x0] =	sbarrier.arrive $0xFFFF  }
0x8a: {  	_ =	strace $0x9000004D  }
0x8b: {  	s0 =	stileid.u32;
	[bflag:$0x2] =	sbarrier.arrive $0xFFFF  }
0x8c: {  	p0 =	sne.s32 s0, $0x0;
	s0 =	rddreg [dreg:$0x2]  }
0x8d: {  	s0 =	sadd.s32 @!p0 $0x100000, s0  }
0x8e: {  	[sflag:s0] =	ssyncadd.tile.s32 @!p0 $0x1;
	_ =	shalt  }
.Lfunc_end2:
_tile_overlayer_lowered:
.L_overlay_start_2:
0x8f: {  	(tag) =	ssettag $0x2  }
0x90: {  	s0 =	rddreg [dreg:$0x0];
	s2 =	stileid.u32  }
0x91: {  	s1 =	rddreg [dreg:$0x1];
	p0 =	sne.s32 s2, $0x0  }
0x92: {  	s3 =	rddreg [dreg:$0x2];
	[bflag:$0x3] =	sbarrier.arrive $0xFFFF;
	s2 =	simm.s32 @!p0 $0x1C09  }
0x93: {  	[timem:s3], [sflag:s2] =	dma.local @!p0 [hbm:s0], s1  }
0x94: {  	s0 =	simm.s32 @!p0 $0x9  }
0x95: {  	_ =	swait.ge @!p0 [sflag:s0], s1  }
0x96: {  	s1 =	ssub.s32 @!p0 $0x0, s1;
	[sflag:s0] =	ssyncset.done @!p0 $0x0  }
0x97: {  	[sflag:s0] =	ssyncadd.s32 @!p0 s1  }
0x98: {  	[bflag:$0x3] =	sbarrier.arrive $0xFFFF  }
0x99: {  	_ =	shalt  }

// kernel: kernel.8.cloned.1.call-start
scs
__scs_entry_jumppad:
0x0: {  	(pc) =	sbr.rel $0x88, $3  }
0x1: {  	(tag) =	ssettag $0x0;
	lr =	simm.s32 $0x1  }
0x2: {  	[smem:$0x3F9B] =	sst lr;
	_ =	strace $0xD0000000  }
0x3: {  	_ = 	snop  }
0x4: {  	_ = 	snop  }
0x5: {  	_ = 	snop  }
0x6: {  	_ = 	snop  }
0x7: {  	_ = 	snop  }
__scs_overlays_trampoline_lowered:
0x8: {  	[smem:$0x3FAA] =	sst s0  }
0x9: {  	[smem:$0x3FAB] =	sst s1  }
0xa: {  	[smem:$0x3FAC] =	sst s2  }
0xb: {  	[smem:$0x3FAD] =	sst s3  }
0xc: {  	[smem:$0x3FAE] =	sst s4  }
0xd: {  	[smem:$0x3FAF] =	sst s5  }
0xe: {  	[smem:$0x3FB0] =	sst s6  }
0xf: {  	[smem:$0x3FB1] =	sst s7  }
0x10: {  	[smem:$0x3FB2] =	sst s8  }
0x11: {  	[smem:$0x3FB3] =	sst s9;
	s0 =	simm.s32 @!p0 $0x0  }
0x12: {  	s1 =	sld [smem:$0x3F99];
	s0 =	simm.s32 @p0 $0x1  }
0x13: {  	[smem:$0x3FB4] =	sst s0;
	s0 =	simm.s32 @!p1 $0x0  }
0x14: {  	s2 =	sld [smem:$0x3F98];
	s0 =	simm.s32 @p1 $0x1  }
0x15: {  	[smem:$0x3FB5] =	sst s0;
	s0 =	simm.s32 @!p2 $0x0  }
0x16: {  	s3 =	sld [smem:$0x3FDB];
	s0 =	simm.s32 @p2 $0x1  }
0x17: {  	s4 =	simm.s32 $0x1BF5;
	[smem:$0x3FB7] =	sst s0  }
0x18: {  	s0 =	sld [smem:$0x3F9A];
	_ =	swait.ge [sflag:s4], $0x0  }
0x19: {  	s7 =	sld [smem:$0x3F9B]  }
0x1a: {  	s8 =	sadd.s32 $0xFFFFE003, lr  }
0x1b: {  	s9 =	sadd.s32 $0xFFFFFEF7, lr;
	s5 =	simm.s32 $0xFFFFFFFF;
	p2 =	slt.u32 s8, $0xFFFFF086  }
0x1c: {  	p1 =	slt.u32 s9, $0xF7A;
	s5 =	simm.s32 @!p2 $0x0  }
0x1d: {  	s5 =	simm.s32 @p1 $0x1;
	p0 =	seq.s32 s7, s2  }
0x1e: {  	s7 =	smul.u32 @!p0 $0xF7A, s2;
	p2 =	seq.s32 @!p0 s5, $0x0  }
0x1f: {  	s9 =	smul.u32 $0xF7A, s1;
	s8 =	simm.s32 @!p0 $0x1BF5;
	p2 =	por !p2, p0  }
0x20: {  	[sflag:s8] =	ssyncset.s32 @!p0 $0xFFFFF086;
	s6 =	sadd.s32 @!p0 s3, s7;
	s7 =	simm.s32 @!p0 $0x108  }
0x21: {  	s3 =	sadd.s32 s3, s9;
	s6 =	sadd.s32 @!p0 $0x88, s6;
	s7 =	simm.s32 @p2 $0x1082  }
0x22: {  	[simem:s7], [sflag:s8] =	dma.local @!p0 [hbm:s6], $0xF7A  }
0x23: {  	s9 =	sor.u32 $0xD0000000, s2;
	s6 =	simm.s32 $0x108;
	_ =	swait.ge @!p0 [sflag:s8], $0x0  }
0x24: {  	s3 =	sadd.s32 $0x88, s3;
	s6 =	simm.s32 @!p1 $0x1082;
	[sflag:s4] =	ssyncset.s32 $0xFFFFF086  }
0x25: {  	[simem:s6], [sflag:s4] =	dma.local [hbm:s3], $0xF7A  }
0x26: {  	[smem:$0x3F9B] =	sst s1;
	(tag) =	ssettag s2;
	_ =	strace s9  }
0x27: {  	s1 =	sld [smem:$0x3FAB]  }
0x28: {  	s2 =	sld [smem:$0x3FAC]  }
0x29: {  	s4 =	sld [smem:$0x3FAE]  }
0x2a: {  	p0 =	seq.s32 s5, $0x0;
	s5 =	sld [smem:$0x3FAF]  }
0x2b: {  	s6 =	sld [smem:$0x3FB0]  }
0x2c: {  	s7 =	sld [smem:$0x3FB1]  }
0x2d: {  	s3 =	simm.s32 $0x108;
	s8 =	sld [smem:$0x3FB2]  }
0x2e: {  	s3 =	simm.s32 @!p0 $0x1082;
	s9 =	sld [smem:$0x3FB3]  }
0x2f: {  	lr =	sadd.s32 s0, s3;
	s0 =	sld [smem:$0x3FAA]  }
0x30: {  	s3 =	sld [smem:$0x3FAD]  }
0x31: {  	[smem:$0x3FB6] =	sst s10  }
0x32: {  	s10 =	sld [smem:$0x3FB4];
	_ =	sdelay $0x3  }
0x33: {  	p0 =	seq.s32 s10, $0x1;
	s10 =	sld [smem:$0x3FB6];
	_ =	sdelay $0x3  }
0x34: {  	[smem:$0x3FB6] =	sst s10  }
0x35: {  	s10 =	sld [smem:$0x3FB5];
	_ =	sdelay $0x3  }
0x36: {  	p1 =	seq.s32 s10, $0x1;
	s10 =	sld [smem:$0x3FB6];
	_ =	sdelay $0x3  }
0x37: {  	[smem:$0x3FB6] =	sst s10  }
0x38: {  	s10 =	sld [smem:$0x3FB7]  }
0x39: {  	_ = 	snop;
	(pc) =	sbr.ind lr, $3  }
0x3a: {  	_ = 	snop  }
0x3b: {  	_ = 	snop  }
0x3c: {  	p2 =	seq.s32 s10, $0x1;
	s10 =	sld [smem:$0x3FB6]  }
0x3d: {  	_ =	shalt  }
0x3e: {  	_ =	shalt  }
0x3f: {  	_ =	shalt  }
0x40: {  	_ =	shalt  }
0x41: {  	_ =	shalt  }
0x42: {  	_ =	shalt  }
0x43: {  	_ =	shalt  }
0x44: {  	_ =	shalt  }
0x45: {  	_ =	shalt  }
0x46: {  	_ =	shalt  }
0x47: {  	_ =	shalt  }
0x48: {  	_ =	shalt  }
0x49: {  	_ =	shalt  }
0x4a: {  	_ =	shalt  }
0x4b: {  	_ =	shalt  }
0x4c: {  	_ =	shalt  }
0x4d: {  	_ =	shalt  }
0x4e: {  	_ =	shalt  }
0x4f: {  	_ =	shalt  }
0x50: {  	_ =	shalt  }
0x51: {  	_ =	shalt  }
0x52: {  	_ =	shalt  }
0x53: {  	_ =	shalt  }
0x54: {  	_ =	shalt  }
0x55: {  	_ =	shalt  }
0x56: {  	_ =	shalt  }
0x57: {  	_ =	shalt  }
0x58: {  	_ =	shalt  }
0x59: {  	_ =	shalt  }
0x5a: {  	_ =	shalt  }
0x5b: {  	_ =	shalt  }
0x5c: {  	_ =	shalt  }
0x5d: {  	_ =	shalt  }
0x5e: {  	_ =	shalt  }
0x5f: {  	_ =	shalt  }
0x60: {  	_ =	shalt  }
0x61: {  	_ =	shalt  }
0x62: {  	_ =	shalt  }
0x63: {  	_ =	shalt  }
0x64: {  	_ =	shalt  }
0x65: {  	_ =	shalt  }
0x66: {  	_ =	shalt  }
0x67: {  	_ =	shalt  }
0x68: {  	_ =	shalt  }
0x69: {  	_ =	shalt  }
0x6a: {  	_ =	shalt  }
0x6b: {  	_ =	shalt  }
0x6c: {  	_ =	shalt  }
0x6d: {  	_ =	shalt  }
0x6e: {  	_ =	shalt  }
0x6f: {  	_ =	shalt  }
0x70: {  	_ =	shalt  }
0x71: {  	_ =	shalt  }
0x72: {  	_ =	shalt  }
0x73: {  	_ =	shalt  }
0x74: {  	_ =	shalt  }
0x75: {  	_ =	shalt  }
0x76: {  	_ =	shalt  }
0x77: {  	_ =	shalt  }
0x78: {  	_ =	shalt  }
0x79: {  	_ =	shalt  }
0x7a: {  	_ =	shalt  }
0x7b: {  	_ =	shalt  }
0x7c: {  	_ =	shalt  }
0x7d: {  	_ =	shalt  }
0x7e: {  	_ =	shalt  }
0x7f: {  	_ =	shalt  }
0x80: {  	_ =	shalt  }
0x81: {  	_ =	shalt  }
0x82: {  	_ =	shalt  }
0x83: {  	_ =	shalt  }
0x84: {  	_ =	shalt  }
0x85: {  	_ =	shalt  }
0x86: {  	_ =	shalt  }
0x87: {  	_ =	shalt  }
.Lfunc_end0:
.L_simem_size_0:
called_computation_lowered:
.L_overlay_start_0:
0x88: {  	s2 =	sld [smem:$0x3FD9]  }
0x89: {  	s3 =	sld [smem:$0x3FFE];
	_ =	sdelay $0x1  }
0x8a: {  	s1 =	srdreg.scid  }
0x8b: {  	s0 =	sand.u32 $0x1, s1  }
0x8c: {  	s17 =	sshll.u32 s0, $0xA;
	s2 =	sadd.s32 s3, s2  }
0x8d: {  	s2 =	sadd.s32 s2, s17  }
0x8e: {  	[smem:$0x3FC2] =	sst s2  }
0x8f: {  	_ = 	snop  }
0x90: {  	s2 =	sld [smem:$0x3FD0];
	(tm) =	ssettm $0x1  }
0x91: {  	s18 =	sld [smem:$0x3FFB];
	_ =	sdelay $0x3  }
0x92: {  	_ =	strace s18  }
0x93: {  	s3 =	sld [smem:$0x3FFC];
	_ =	sdelay $0x3  }
0x94: {  	_ =	strace s3  }
0x95: {  	s3 =	sld [smem:$0x3FFD];
	_ =	sdelay $0x3  }
0x96: {  	_ =	strace s3  }
0x97: {  	_ =	strace $0x8FFFFFFF  }
0x98: {  	s19 =	sld [smem:$0x3FDB];
	_ =	sdelay $0x1  }
0x99: {  	s4 =	simm.s32 $_scs_section_size  }
0x9a: {  	s5 =	simm.s32 $_size__tile_overlayer_lowered;
	s6 =	simm.s32 $_tile_overlayer_lowered  }
0x9b: {  	s22 =	simm.s32 $0x1BFF;
	s21 =	sshll.u32 s6, $0x1;
	s3 =	sadd.s32 s4, s19  }
0x9c: {  	s7 =	simm.s32 $0x0;
	s20 =	sshll.u32 s5, $0x1;
	s5 =	sadd.s32 s21, s3  }
0x9d: {  	[timem:s7], [sflag:s22] =	dma.local [hbm:s5], s20  }
0x9e: {  	_ =	swait.ge [sflag:s22], s20  }
0x9f: {  	s4 =	ssub.s32 $0x0, s20;
	[sflag:s22] =	ssyncset.done $0x0  }
0xa0: {  	[sflag:s22] =	ssyncadd.s32 s4;
	_ =	sdelay $0x1  }
0xa1: {  	s23 =	simm.s32 $0x1B8B  }
0xa2: {  	_ =	swait.ge [sflag:s23], $0x1  }
0xa3: {  	[sflag:s23] =	ssyncset.done $0x0  }
0xa4: {  	s25 =	simm.s32 $0x1B8E;
	s24 =	sld [smem:$0x3FFE];
	[sflag:s23] =	ssyncadd.s32 $0xFFFFFFFF  }
0xa5: {  	s26 =	simm.s32 $execute0_lowered;
	[smem:$0x3FD2] =	sst s25  }
0xa6: {  	s5 =	sshll.u32 s26, $0x1;
	_ =	strace $0x80000046;
	[dreg:$0x1] =	wrdreg $0xFFFFFFFF  }
0xa7: {  	s28 =	simm.s32 $_size_execute0_lowered;
	s3 =	sadd.s32 s3, s5;
	[dreg:$0x0] =	wrdreg $0x0  }
0xa8: {  	s5 =	sshll.u32 s28, $0x1;
	[dreg:$0x2] =	wrdreg s3  }
0xa9: {  	[dreg:$0x3] =	wrdreg s5  }
0xaa: {  	[dreg:$0x4] =	wrdreg $0xC0  }
0xab: {  	_ =	task [dreg:s7], $0x5FFFF  }
0xac: {  	[dreg:$0x1] =	wrdreg $0xFFFFFFFF  }
0xad: {  	[dreg:$0x0] =	wrdreg $0x60  }
0xae: {  	[dreg:$0x2] =	wrdreg s24  }
0xaf: {  	[dreg:$0x3] =	wrdreg s2  }
0xb0: {  	[dreg:$0x4] =	wrdreg $0x30000  }
0xb1: {  	[dreg:$0x5] =	wrdreg $0x9  }
0xb2: {  	_ =	task.clear_ibuf [dreg:s7], $0x6FFFF;
	_ =	strace $0x90000046  }
0xb3: {  	s29 =	simm.s32 $0x9;
	_ =	strace $0x80000048  }
0xb4: {  	_ =	swait.ge [sflag:s29], $0x1  }
0xb5: {  	[sflag:s29] =	ssyncadd.s32 $0xFFFFFFFF  }
0xb6: {  	_ =	strace $0x90000048  }
0xb7: {  	_ =	sfence  }
0xb8: {  	s30 =	sld [smem:$0x0];
	_ =	sdelay $0x2  }
0xb9: {  	s31 =	sshll.u32 s1, $0xD;
	s1 =	sshrl.u32 s1, $0x2  }
0xba: {  	s3 =	sand.u32 $0x4000, s31;
	s1 =	sadd.s32 s1, s30  }
0xbb: {  	s0 =	sor.u32 s3, s0;
	s1 =	sshll.u32 s1, $0x11  }
0xbc: {  	s0 =	sor.u32 s1, s0  }
0xbd: {  	s0 =	sadd.s32 $0x8F2B, s0  }
0xbe: {  	[sflag:s0] =	ssyncadd.remote.s32 $0x1  }
0xbf: {  	_ =	sfence.sel $0xFFFF  }
0xc0: {  	[dreg:$0x0] =	wrdreg $0xFFFFFFFF;
	(pc) =	sbr.abs _section_cstart, $3  }
0xc1: {  	[dreg:$0x1] =	wrdreg $0xFFFFFFFF  }
0xc2: {  	_ =	task.clear_ibuf [dreg:s7], $0x2FFFF;
	_ =	strace $0x9FFFFFFF  }
0xc3: {  	(tm) =	ssettm $0x7FFFFFFF  }
tec
execute0_lowered:
.L_overlay_start_1:
0x0: {  	(tag) =	ssettag $0x1  }
0x1: {  	s6 =	rddreg [dreg:$0x0]  }
0x2: {  	s0 =	srdreg.scid;
	s2 =	rddreg [dreg:$0x1]  }
0x3: {  	s3 =	rddreg [dreg:$0x2];
	s4 =	simm.s32 $0x0;
	s13 =	simm.s32 $0x80  }
0x4: {  	s14 =	simm.s32 $0x0;
	s5 =	sand.u32 $0x1, s0;
	s0 =	stileid.u32  }
0x5: {  	[smem:$0x7FF] =	sst s4;
	s1 =	sshll.u32 s5, $0x4;
	s8 =	smul.u32 $0x2800, s0  }
0x6: {  	s9 =	smul.u32 $0x28000, s5;
	s5 =	ssub.s32 $0x2, s5;
	s1 =	sor.u32 s0, s1  }
0x7: {  	s31 =	sshll.u32 s0, $0x6;
	s11 =	sshrl.u32 s5, $0x1;
	s7 =	smul.u32 $0x500, s1  }
0x8: {  	s1 =	rddreg [dreg:$0x3];
	_ =	strace $0x80000047;
	s9 =	sadd.s32 s8, s9  }
0x9: {  	s10 =	sshrl.u32 s8, $0x3;
	s11 =	ssub.s32 s5, s11;
	s12 =	sadd.s32 s8, s3  }
0xa: {  	s9 =	sshrl.u32 s9, $0x3;
	s10 =	sadd.s32 s10, s6;
	s7 =	sadd.s32 s7, s6  }
0xb: {  	s9 =	sadd.s32 s9, s6;
	s5 =	sadd.s32 $0x16400, s10;
	s6 =	sor.u32 $0x1C01, s31  }
0xc: {  	s10 =	sshrl.u32 s12, $0x3;
	s12 =	simm.s32 $0x2800;
	s7 =	sadd.s32 $0xC400, s7  }
0xd: {  	s8 =	sadd.s32 $0x1B400, s9;
	s9 =	smax.u32 s11, $0x1;
	s11 =	simm.s32 $0x1  }
.LBB2_1:
0xe: {  	[spmem:s10], [sflag:s6] =	dma.local [hbm:s5], $0x500  }
0xf: {  	_ =	swait.ge [sflag:s11], $0x500  }
0x10: {  	[sflag:s11] =	ssyncset.done $0x0  }
0x11: {  	[sflag:s11] =	ssyncadd.s32 $0xFFFFFB00  }
0x12: {  	[tilespmem:s4], [sflag:$0x1] =	stream.linear.gather [hbm4b:s7+s4], $0x2800, $0x38;
	[tilespmem:$0x5800] =	vst v63  }
0x13: {  	_ =	swait.ge [sflag:s11], $0x2800  }
0x14: {  	[sflag:s11] =	ssyncset.done $0x0  }
0x15: {  	[sflag:s11] =	ssyncadd.s32 $0xFFFFD800  }
0x16: {  	[tilespmem:s12], [sflag:$0x1] =	stream.linear.gather [hbm4b:s2+s4], $0x800, $0x38;
	[tilespmem:$0x5800] =	vst v63  }
0x17: {  	_ =	swait.ge [sflag:s11], $0x800  }
0x18: {  	[sflag:s11] =	ssyncset.done $0x0  }
0x19: {  	[sflag:s11] =	ssyncadd.s32 $0xFFFFF800  }
0x1a: {  	s15 =	simm.s32 $0x0;
	[bflag:$0x0] =	sbarrier.arrive $0xFFFF  }
0x1b: {  	[spmem:s3] =	stream.indirect.scatter.add.f32 [tilespmem:s12], [sflag:$0x1], $0x10, s15, s13, $0xb8;
	[tilespmem:$0x5800] =	vst v63  }
0x1c: {  	_ =	swait.ge [sflag:s11], $0x800  }
0x1d: {  	s15 =	simm.s32 $0x200;
	[sflag:s11] =	ssyncset.done $0x0  }
.LBB2_2:
0x1e: {  	s16 =	sshra.s32 s15, $0x2;
	[sflag:s11] =	ssyncadd.s32 $0xFFFFF800;
	p0 =	sne.s32 s15, $0x9E00  }
0x1f: {  	[spmem:s3] =	stream.indirect.scatter.add.f32 [tilespmem:s12], [sflag:$0x1], $0x10, s16, s13, $0xb8;
	[tilespmem:$0x5800] =	vst v63  }
.Ltmp0:
0x20: {  	_ = 	snop;
	(pc) =	sbr.rel @p0 .LBB2_2-.Ltmp0, $4  }
0x21: {  	_ = 	snop  }
0x22: {  	s15 =	sadd.s32 $0x200, s15  }
0x23: {  	_ =	swait.ge [sflag:s11], $0x800  }
0x24: {  	[sflag:s11] =	ssyncset.done $0x0  }
0x25: {  	s14 =	sadd.s32 $0x1, s14  }
0x26: {  	[sflag:s11] =	ssyncadd.s32 $0xFFFFF800;
	p0 =	sne.s32 s14, s9  }
.Ltmp1:
0x27: {  	[bflag:$0x0] =	sbarrier.arrive $0xFFFF;
	(pc) =	sbr.rel @p0 .LBB2_1-.Ltmp1, $4  }
0x28: {  	[hbm:s8], [sflag:s6] =	dma.local [spmem:s10], $0x500  }
0x29: {  	_ =	swait.ge [sflag:s11], $0x500  }
0x2a: {  	[sflag:s11] =	ssyncset.done $0x0  }
0x2b: {  	[sflag:s11] =	ssyncadd.s32 $0xFFFFFB00  }
0x2c: {  	_ =	sfence.sel $0x180000  }
0x2d: {  	[bflag:$0x0] =	sbarrier.arrive $0xFFFF  }
0x2e: {  	p0 =	sne.s32 s0, $0x0;
	_ =	strace $0x90000047  }
0x2f: {  	s0 =	sadd.s32 @!p0 $0x100000, s1;
	[bflag:$0x2] =	sbarrier.arrive $0xFFFF  }
0x30: {  	[sflag:s0] =	ssyncadd.tile.s32 @!p0 $0x1;
	_ =	shalt  }
.Lfunc_end2:
_tile_overlayer_lowered:
.L_overlay_start_2:
0x31: {  	(tag) =	ssettag $0x2  }
0x32: {  	s0 =	rddreg [dreg:$0x0];
	s2 =	stileid.u32  }
0x33: {  	s1 =	rddreg [dreg:$0x1];
	p0 =	sne.s32 s2, $0x0  }
0x34: {  	s3 =	rddreg [dreg:$0x2];
	[bflag:$0x3] =	sbarrier.arrive $0xFFFF;
	s2 =	simm.s32 @!p0 $0x1C01  }
0x35: {  	[timem:s3], [sflag:s2] =	dma.local @!p0 [hbm:s0], s1  }
0x36: {  	s0 =	simm.s32 @!p0 $0x1  }
0x37: {  	_ =	swait.ge @!p0 [sflag:s0], s1  }
0x38: {  	s1 =	ssub.s32 @!p0 $0x0, s1;
	[sflag:s0] =	ssyncset.done @!p0 $0x0  }
0x39: {  	[sflag:s0] =	ssyncadd.s32 @!p0 s1  }
0x3a: {  	[bflag:$0x3] =	sbarrier.arrive $0xFFFF  }
0x3b: {  	_ =	shalt  }

</sc_bundles>
